<compile_context>
chip_gen: v7x
topology: tpu7x:2x2x1
jax: 0.10.2.dev20260603
libtpu: 0.0.44.dev20260713+nightly
codegen_flags: <defaults>
</compile_context>

<pallas_src>
import functools

import jax
import jax.numpy as jnp
from jax import lax
from jax.experimental import pallas as pl
from jax.experimental.pallas import tpu as pltpu
from jax.experimental.pallas import tpu_sc as plsc

N_BANK = 1_000_000
D_DIM = 128
B_TOK = 16384

_NC = 2
_NS = 16
_NW = _NC * _NS
_B_PER_W = B_TOK // _NW
_BLK = 128
_NBLK = _B_PER_W // _BLK
_LANES = 16

_mesh = plsc.VectorSubcoreMesh(core_axis_name="c", subcore_axis_name="s")


@functools.partial(
    pl.kernel,
    mesh=_mesh,
    out_type=jax.ShapeDtypeStruct((D_DIM // 8, B_TOK // 128, 8, 128), jnp.float32),
    compiler_params=pltpu.CompilerParams(needs_layout_passes=False),
    scratch_types=[
        pltpu.VMEM((_B_PER_W,), jnp.int32),
        pltpu.VMEM((_BLK, D_DIM), jnp.float32),
        pltpu.VMEM((_BLK, D_DIM), jnp.float32),
        pltpu.VMEM((D_DIM // 8, 8, _BLK), jnp.float32),
        pltpu.VMEM((D_DIM // 8, 8, _BLK), jnp.float32),
        pltpu.SemaphoreType.DMA,
        pltpu.SemaphoreType.DMA,
    ],
)
def _gather_t(idx_hbm, mbt_hbm, out_hbm, idx_v, rows0, rows1, tb0, tb1, gsem, osem):
    wid = lax.axis_index("s") * _NC + lax.axis_index("c")
    base = wid * _B_PER_W
    pltpu.sync_copy(idx_hbm.at[pl.ds(base, _B_PER_W)], idx_v)

    iota = lax.iota(jnp.int32, _LANES)

    rows_bufs = (rows0, rows1)
    tb_bufs = (tb0, tb1)

    def start_gather(j):
        return pltpu.async_copy(
            mbt_hbm.at[idx_v.at[pl.ds(j * _BLK, _BLK)]], rows_bufs[j % 2], gsem
        )

    cvecs = tuple(iota + (c16 * _LANES) for c16 in range(_BLK // _LANES))

    def transpose_block(j):
        rows_j = rows_bufs[j % 2]
        tb_j = tb_bufs[j % 2]

        @plsc.parallel_loop(0, D_DIM, unroll=4)
        def dbody(d):
            dvec = jnp.full((_LANES,), 0, jnp.int32) + d
            tr = lax.shift_right_logical(d, 3)
            r = lax.bitwise_and(d, 7)
            for c16 in range(_BLK // _LANES):
                vals = plsc.load_gather(rows_j, [cvecs[c16], dvec])
                tb_j[tr, r, pl.ds(c16 * _LANES, _LANES)] = vals

    def start_store(j):
        jg = wid * _NBLK + j
        return pltpu.async_copy(tb_bufs[j % 2], out_hbm.at[:, jg], osem)

    g0 = start_gather(0)
    g1 = start_gather(1)
    g0.wait()
    transpose_block(0)
    s0 = start_store(0)
    g1.wait()
    g2 = start_gather(2)
    transpose_block(1)
    s1 = start_store(1)
    g2.wait()
    g3 = start_gather(3)
    s0.wait()
    transpose_block(2)
    s2 = start_store(2)
    g3.wait()
    s1.wait()
    transpose_block(3)
    s3 = start_store(3)
    s2.wait()
    s3.wait()


def kernel(index, membank):
    mbt = membank.T
    out4 = _gather_t(index, mbt)
    return out4.transpose(0, 2, 1, 3).reshape(D_DIM, B_TOK)

# --- scband reference (transcript-rebuilt; emitter-appended) ---
"""Pipeline reference for scband-memorybank-39341900431936 (READ-ONLY COPY).

The authoritative reference and input builder live on the scoring server;
editing this copy changes nothing except your own understanding.
"""

import jax, jax.numpy as jnp
import numpy as np

N = 1000000
DIM = 128
B = 16384


def setup_inputs(seed: int = 0) -> dict:
    key = jax.random.key(seed)
    k1, k2 = jax.random.split(key)
    # buffer: membank = normalize(randn(dim, N), dim=0)
    membank = jax.random.normal(k1, (DIM, N), dtype=jnp.float32)
    norm = jnp.linalg.norm(membank, axis=0, keepdims=True)
    membank = membank / jnp.maximum(norm, 1e-12)
    index = jax.random.randint(k2, (B,), 0, N, dtype=jnp.int32)
    return {"index": index, "membank": membank}


def reference(index, membank):
    # torch.index_select(self.membank, -1, index) -> gather columns, shape [DIM, B]
    return jnp.take(membank, index, axis=1)

if __name__ == "__main__":
    import jax
    _d = setup_inputs()
    print(jax.jit(kernel)(*tuple(_d.values())))

</pallas_src>

<mosaic_0001>
#map = affine_map<(d0, d1) -> (0)>
#map1 = affine_map<(d0, d1) -> (0, 0)>
#map2 = affine_map<(d0, d1) -> (0, 0, 0, 0)>
module attributes {stable_mosaic.version = 14 : i64} {
  func.func @_gather_t(%arg0: i32, %arg1: i32, %arg2: memref<16384xi32, #tpu.memory_space<hbm>>, %arg3: memref<1000000x128xf32, #tpu.memory_space<hbm>>, %arg4: memref<16x128x8x128xf32, #tpu.memory_space<hbm>>, %arg5: memref<512xi32, #tpu.memory_space<vmem>>, %arg6: memref<128x128xf32, #tpu.memory_space<vmem>>, %arg7: memref<128x128xf32, #tpu.memory_space<vmem>>, %arg8: memref<16x8x128xf32, #tpu.memory_space<vmem>>, %arg9: memref<16x8x128xf32, #tpu.memory_space<vmem>>, %arg10: memref<!tpu.dma_semaphore, #tpu.memory_space<semaphore_mem>>, %arg11: memref<!tpu.dma_semaphore, #tpu.memory_space<semaphore_mem>>) attributes {dimension_semantics = [#tpu.dimension_semantics<core_parallel>, #tpu.dimension_semantics<subcore_parallel>], iteration_bounds = array<i64: 2, 16>, scalar_prefetch = 0 : i64, scratch_operands = 7 : i64, tpu.core_type = #tpu.core_type<sc_vector_subcore>, window_params = [{transform_indices = #map}, {transform_indices = #map1}, {transform_indices = #map2}]} {
    %mul3A = arith.constant 2 : i32
    %mul3A_0 = arith.muli %arg1, %mul3A : i32
    %add3A = arith.addi %mul3A_0, %arg0 : i32
    %mul3A_1 = arith.constant 512 : i32
    %mul3A_2 = arith.muli %add3A, %mul3A_1 : i32
    "tpu.region"() ({
      %run_scoped3A = tpu.sem_alloc : memref<!tpu.dma_semaphore, #tpu.memory_space<semaphore_mem>>
      %dma_start3A_172 = tpu.memref_slice %arg2[%mul3A_2] : memref<16384xi32, #tpu.memory_space<hbm>> -> memref<512xi32, #tpu.memory_space<hbm>>
      %dma_start3A_173 = tpu.memref_slice %arg2[%mul3A_2] : memref<16384xi32, #tpu.memory_space<hbm>> -> memref<512xi32, #tpu.memory_space<hbm>>
      tpu.enqueue_dma source(%dma_start3A_173 : memref<512xi32, #tpu.memory_space<hbm>>) target(%arg5 : memref<512xi32, #tpu.memory_space<vmem>>) target_semaphore(%run_scoped3A : memref<!tpu.dma_semaphore, #tpu.memory_space<semaphore_mem>>)
      %dma_wait3A_174 = tpu.memref_slice %arg2[%mul3A_2] : memref<16384xi32, #tpu.memory_space<hbm>> -> memref<512xi32, #tpu.memory_space<hbm>>
      %dma_wait3A_175 = tpu.memref_slice %arg2[%mul3A_2] : memref<16384xi32, #tpu.memory_space<hbm>> -> memref<512xi32, #tpu.memory_space<hbm>>
      tpu.wait_dma2 semaphore(%run_scoped3A : memref<!tpu.dma_semaphore, #tpu.memory_space<semaphore_mem>>) src(%dma_wait3A_175 : memref<512xi32, #tpu.memory_space<hbm>>) dst(%arg5 : memref<512xi32, #tpu.memory_space<vmem>>)
      tpu.yield
    }) : () -> ()
    %iota3A = tpu.iota {dimensions = array<i32: 0>} : vector<16xi32>
    %add3A_3 = arith.constant 0 : i32
    %add3A_4 = vector.broadcast %add3A_3 : i32 to vector<16xi32>
    %add3A_5 = arith.addi %iota3A, %add3A_4 : vector<16xi32>
    %add3A_6 = arith.constant 16 : i32
    %add3A_7 = vector.broadcast %add3A_6 : i32 to vector<16xi32>
    %add3A_8 = arith.addi %iota3A, %add3A_7 : vector<16xi32>
    %add3A_9 = arith.constant 32 : i32
    %add3A_10 = vector.broadcast %add3A_9 : i32 to vector<16xi32>
    %add3A_11 = arith.addi %iota3A, %add3A_10 : vector<16xi32>
    %add3A_12 = arith.constant 48 : i32
    %add3A_13 = vector.broadcast %add3A_12 : i32 to vector<16xi32>
    %add3A_14 = arith.addi %iota3A, %add3A_13 : vector<16xi32>
    %add3A_15 = arith.constant 64 : i32
    %add3A_16 = vector.broadcast %add3A_15 : i32 to vector<16xi32>
    %add3A_17 = arith.addi %iota3A, %add3A_16 : vector<16xi32>
    %add3A_18 = arith.constant 80 : i32
    %add3A_19 = vector.broadcast %add3A_18 : i32 to vector<16xi32>
    %add3A_20 = arith.addi %iota3A, %add3A_19 : vector<16xi32>
    %add3A_21 = arith.constant 96 : i32
    %add3A_22 = vector.broadcast %add3A_21 : i32 to vector<16xi32>
    %add3A_23 = arith.addi %iota3A, %add3A_22 : vector<16xi32>
    %add3A_24 = arith.constant 112 : i32
    %add3A_25 = vector.broadcast %add3A_24 : i32 to vector<16xi32>
    %add3A_26 = arith.addi %iota3A, %add3A_25 : vector<16xi32>
    %dma_start3A = arith.constant 0 : i32
    %dma_start3A_27 = tpu.memref_slice %arg5[%dma_start3A] : memref<512xi32, #tpu.memory_space<vmem>> -> memref<128xi32, #tpu.memory_space<vmem>>
    %dma_start3A_28 = arith.constant 0 : i32
    %dma_start3A_29 = arith.constant 0 : i32
    %dma_start3A_30 = tpu.memref_slice %arg3[%dma_start3A_28, %dma_start3A_29] : memref<1000000x128xf32, #tpu.memory_space<hbm>> -> memref<1000000x128xf32, #tpu.memory_space<hbm>>
    tpu.enqueue_indirect_dma source(%dma_start3A_30 : memref<1000000x128xf32, #tpu.memory_space<hbm>>) target(%arg6 : memref<128x128xf32, #tpu.memory_space<vmem>>) offsets(%dma_start3A_27 : memref<128xi32, #tpu.memory_space<vmem>>) semaphore(%arg10 : memref<!tpu.dma_semaphore, #tpu.memory_space<semaphore_mem>>)
    %dma_start3A_31 = arith.constant 128 : i32
    %dma_start3A_32 = tpu.memref_slice %arg5[%dma_start3A_31] : memref<512xi32, #tpu.memory_space<vmem>> -> memref<128xi32, #tpu.memory_space<vmem>>
    %dma_start3A_33 = arith.constant 0 : i32
    %dma_start3A_34 = arith.constant 0 : i32
    %dma_start3A_35 = tpu.memref_slice %arg3[%dma_start3A_33, %dma_start3A_34] : memref<1000000x128xf32, #tpu.memory_space<hbm>> -> memref<1000000x128xf32, #tpu.memory_space<hbm>>
    tpu.enqueue_indirect_dma source(%dma_start3A_35 : memref<1000000x128xf32, #tpu.memory_space<hbm>>) target(%arg7 : memref<128x128xf32, #tpu.memory_space<vmem>>) offsets(%dma_start3A_32 : memref<128xi32, #tpu.memory_space<vmem>>) semaphore(%arg10 : memref<!tpu.dma_semaphore, #tpu.memory_space<semaphore_mem>>)
    %dma_wait3A = arith.constant 0 : i32
    %dma_wait3A_36 = tpu.memref_slice %arg5[%dma_wait3A] : memref<512xi32, #tpu.memory_space<vmem>> -> memref<128xi32, #tpu.memory_space<vmem>>
    %dma_wait3A_37 = arith.constant 0 : i32
    %dma_wait3A_38 = arith.constant 0 : i32
    %dma_wait3A_39 = tpu.memref_slice %arg3[%dma_wait3A_37, %dma_wait3A_38] : memref<1000000x128xf32, #tpu.memory_space<hbm>> -> memref<1000000x128xf32, #tpu.memory_space<hbm>>
    tpu.wait_indirect_dma semaphore(%arg10 : memref<!tpu.dma_semaphore, #tpu.memory_space<semaphore_mem>>) src(%dma_wait3A_39 : memref<1000000x128xf32, #tpu.memory_space<hbm>>) dst(%arg6 : memref<128x128xf32, #tpu.memory_space<vmem>>)
    %parallel_loop3A = arith.constant 0 : i32
    %parallel_loop3A_40 = arith.constant 128 : i32
    %parallel_loop3A_41 = arith.constant 1 : i32
    scf.for %parallel_loop3A_172 = %parallel_loop3A to %parallel_loop3A_40 step %parallel_loop3A_41  : i32 {
      %parallel_loop3A_173 = arith.constant 0 : i32
      %parallel_loop3A_174 = vector.broadcast %parallel_loop3A_173 : i32 to vector<16xi32>
      %parallel_loop3A_175 = vector.broadcast %parallel_loop3A_172 : i32 to vector<16xi32>
      %parallel_loop3A_176 = arith.addi %parallel_loop3A_174, %parallel_loop3A_175 : vector<16xi32>
      %parallel_loop3A_177 = arith.constant 3 : i32
      %parallel_loop3A_178 = arith.shrui %parallel_loop3A_172, %parallel_loop3A_177 : i32
      %parallel_loop3A_179 = arith.constant 7 : i32
      %parallel_loop3A_180 = arith.andi %parallel_loop3A_172, %parallel_loop3A_179 : i32
      %parallel_loop3A_181 = tpu.vector_load_idx %arg6[%add3A_5, %parallel_loop3A_176] : memref<128x128xf32, #tpu.memory_space<vmem>>[vector<16xi32>, vector<16xi32>], vector<16xf32>,
      %parallel_loop3A_182 = arith.index_cast %parallel_loop3A_178 : i32 to index
      %parallel_loop3A_183 = arith.index_cast %parallel_loop3A_180 : i32 to index
      %parallel_loop3A_184 = arith.constant 0 : index
      %parallel_loop3A_185 = tpu.vector_load %arg8[%parallel_loop3A_182, %parallel_loop3A_183, %parallel_loop3A_184] {strides = array<i32>} : memref<16x8x128xf32, #tpu.memory_space<vmem>>, vector<16xf32>,
      tpu.vector_store %arg8[%parallel_loop3A_182, %parallel_loop3A_183, %parallel_loop3A_184], %parallel_loop3A_181 {strides = array<i32>} : memref<16x8x128xf32, #tpu.memory_space<vmem>>, vector<16xf32>,
      %parallel_loop3A_186 = tpu.vector_load_idx %arg6[%add3A_8, %parallel_loop3A_176] : memref<128x128xf32, #tpu.memory_space<vmem>>[vector<16xi32>, vector<16xi32>], vector<16xf32>,
      %parallel_loop3A_187 = arith.index_cast %parallel_loop3A_178 : i32 to index
      %parallel_loop3A_188 = arith.index_cast %parallel_loop3A_180 : i32 to index
      %parallel_loop3A_189 = arith.constant 16 : index
      %parallel_loop3A_190 = tpu.vector_load %arg8[%parallel_loop3A_187, %parallel_loop3A_188, %parallel_loop3A_189] {strides = array<i32>} : memref<16x8x128xf32, #tpu.memory_space<vmem>>, vector<16xf32>,
      tpu.vector_store %arg8[%parallel_loop3A_187, %parallel_loop3A_188, %parallel_loop3A_189], %parallel_loop3A_186 {strides = array<i32>} : memref<16x8x128xf32, #tpu.memory_space<vmem>>, vector<16xf32>,
      %parallel_loop3A_191 = tpu.vector_load_idx %arg6[%add3A_11, %parallel_loop3A_176] : memref<128x128xf32, #tpu.memory_space<vmem>>[vector<16xi32>, vector<16xi32>], vector<16xf32>,
      %parallel_loop3A_192 = arith.index_cast %parallel_loop3A_178 : i32 to index
      %parallel_loop3A_193 = arith.index_cast %parallel_loop3A_180 : i32 to index
      %parallel_loop3A_194 = arith.constant 32 : index
      %parallel_loop3A_195 = tpu.vector_load %arg8[%parallel_loop3A_192, %parallel_loop3A_193, %parallel_loop3A_194] {strides = array<i32>} : memref<16x8x128xf32, #tpu.memory_space<vmem>>, vector<16xf32>,
      tpu.vector_store %arg8[%parallel_loop3A_192, %parallel_loop3A_193, %parallel_loop3A_194], %parallel_loop3A_191 {strides = array<i32>} : memref<16x8x128xf32, #tpu.memory_space<vmem>>, vector<16xf32>,
      %parallel_loop3A_196 = tpu.vector_load_idx %arg6[%add3A_14, %parallel_loop3A_176] : memref<128x128xf32, #tpu.memory_space<vmem>>[vector<16xi32>, vector<16xi32>], vector<16xf32>,
      %parallel_loop3A_197 = arith.index_cast %parallel_loop3A_178 : i32 to index
      %parallel_loop3A_198 = arith.index_cast %parallel_loop3A_180 : i32 to index
      %parallel_loop3A_199 = arith.constant 48 : index
      %parallel_loop3A_200 = tpu.vector_load %arg8[%parallel_loop3A_197, %parallel_loop3A_198, %parallel_loop3A_199] {strides = array<i32>} : memref<16x8x128xf32, #tpu.memory_space<vmem>>, vector<16xf32>,
      tpu.vector_store %arg8[%parallel_loop3A_197, %parallel_loop3A_198, %parallel_loop3A_199], %parallel_loop3A_196 {strides = array<i32>} : memref<16x8x128xf32, #tpu.memory_space<vmem>>, vector<16xf32>,
      %parallel_loop3A_201 = tpu.vector_load_idx %arg6[%add3A_17, %parallel_loop3A_176] : memref<128x128xf32, #tpu.memory_space<vmem>>[vector<16xi32>, vector<16xi32>], vector<16xf32>,
      %parallel_loop3A_202 = arith.index_cast %parallel_loop3A_178 : i32 to index
      %parallel_loop3A_203 = arith.index_cast %parallel_loop3A_180 : i32 to index
      %parallel_loop3A_204 = arith.constant 64 : index
      %parallel_loop3A_205 = tpu.vector_load %arg8[%parallel_loop3A_202, %parallel_loop3A_203, %parallel_loop3A_204] {strides = array<i32>} : memref<16x8x128xf32, #tpu.memory_space<vmem>>, vector<16xf32>,
      tpu.vector_store %arg8[%parallel_loop3A_202, %parallel_loop3A_203, %parallel_loop3A_204], %parallel_loop3A_201 {strides = array<i32>} : memref<16x8x128xf32, #tpu.memory_space<vmem>>, vector<16xf32>,
      %parallel_loop3A_206 = tpu.vector_load_idx %arg6[%add3A_20, %parallel_loop3A_176] : memref<128x128xf32, #tpu.memory_space<vmem>>[vector<16xi32>, vector<16xi32>], vector<16xf32>,
      %parallel_loop3A_207 = arith.index_cast %parallel_loop3A_178 : i32 to index
      %parallel_loop3A_208 = arith.index_cast %parallel_loop3A_180 : i32 to index
      %parallel_loop3A_209 = arith.constant 80 : index
      %parallel_loop3A_210 = tpu.vector_load %arg8[%parallel_loop3A_207, %parallel_loop3A_208, %parallel_loop3A_209] {strides = array<i32>} : memref<16x8x128xf32, #tpu.memory_space<vmem>>, vector<16xf32>,
      tpu.vector_store %arg8[%parallel_loop3A_207, %parallel_loop3A_208, %parallel_loop3A_209], %parallel_loop3A_206 {strides = array<i32>} : memref<16x8x128xf32, #tpu.memory_space<vmem>>, vector<16xf32>,
      %parallel_loop3A_211 = tpu.vector_load_idx %arg6[%add3A_23, %parallel_loop3A_176] : memref<128x128xf32, #tpu.memory_space<vmem>>[vector<16xi32>, vector<16xi32>], vector<16xf32>,
      %parallel_loop3A_212 = arith.index_cast %parallel_loop3A_178 : i32 to index
      %parallel_loop3A_213 = arith.index_cast %parallel_loop3A_180 : i32 to index
      %parallel_loop3A_214 = arith.constant 96 : index
      %parallel_loop3A_215 = tpu.vector_load %arg8[%parallel_loop3A_212, %parallel_loop3A_213, %parallel_loop3A_214] {strides = array<i32>} : memref<16x8x128xf32, #tpu.memory_space<vmem>>, vector<16xf32>,
      tpu.vector_store %arg8[%parallel_loop3A_212, %parallel_loop3A_213, %parallel_loop3A_214], %parallel_loop3A_211 {strides = array<i32>} : memref<16x8x128xf32, #tpu.memory_space<vmem>>, vector<16xf32>,
      %parallel_loop3A_216 = tpu.vector_load_idx %arg6[%add3A_26, %parallel_loop3A_176] : memref<128x128xf32, #tpu.memory_space<vmem>>[vector<16xi32>, vector<16xi32>], vector<16xf32>,
      %parallel_loop3A_217 = arith.index_cast %parallel_loop3A_178 : i32 to index
      %parallel_loop3A_218 = arith.index_cast %parallel_loop3A_180 : i32 to index
      %parallel_loop3A_219 = arith.constant 112 : index
      %parallel_loop3A_220 = tpu.vector_load %arg8[%parallel_loop3A_217, %parallel_loop3A_218, %parallel_loop3A_219] {strides = array<i32>} : memref<16x8x128xf32, #tpu.memory_space<vmem>>, vector<16xf32>,
      tpu.vector_store %arg8[%parallel_loop3A_217, %parallel_loop3A_218, %parallel_loop3A_219], %parallel_loop3A_216 {strides = array<i32>} : memref<16x8x128xf32, #tpu.memory_space<vmem>>, vector<16xf32>,
    } {sc.loop_unroll_factor = 4 : i64, sc.parallel_access}
    %mul3A_42 = arith.constant 4 : i32
    %mul3A_43 = arith.muli %add3A, %mul3A_42 : i32
    %add3A_44 = arith.constant 0 : i32
    %add3A_45 = arith.addi %mul3A_43, %add3A_44 : i32
    %dma_start3A_46 = arith.constant 0 : i32
    %dma_start3A_47 = arith.constant 0 : i32
    %dma_start3A_48 = arith.constant 0 : i32
    %dma_start3A_49 = tpu.memref_slice %arg4[%dma_start3A_46, %add3A_45, %dma_start3A_47, %dma_start3A_48] : memref<16x128x8x128xf32, #tpu.memory_space<hbm>> -> memref<16x1x8x128xf32, #tpu.memory_space<hbm>>
    %dma_start3A_50 = tpu.memref_squeeze %dma_start3A_49 : memref<16x1x8x128xf32, #tpu.memory_space<hbm>> -> memref<16x8x128xf32, #tpu.memory_space<hbm>>
    %dma_start3A_51 = arith.constant 0 : i32
    %dma_start3A_52 = arith.constant 0 : i32
    %dma_start3A_53 = arith.constant 0 : i32
    %dma_start3A_54 = tpu.memref_slice %arg4[%dma_start3A_51, %add3A_45, %dma_start3A_52, %dma_start3A_53] : memref<16x128x8x128xf32, #tpu.memory_space<hbm>> -> memref<16x1x8x128xf32, #tpu.memory_space<hbm>>
    %dma_start3A_55 = tpu.memref_squeeze %dma_start3A_54 : memref<16x1x8x128xf32, #tpu.memory_space<hbm>> -> memref<16x8x128xf32, #tpu.memory_space<hbm>>
    tpu.enqueue_dma source(%arg8 : memref<16x8x128xf32, #tpu.memory_space<vmem>>) target(%dma_start3A_55 : memref<16x8x128xf32, #tpu.memory_space<hbm>>) target_semaphore(%arg11 : memref<!tpu.dma_semaphore, #tpu.memory_space<semaphore_mem>>)
    %dma_wait3A_56 = arith.constant 128 : i32
    %dma_wait3A_57 = tpu.memref_slice %arg5[%dma_wait3A_56] : memref<512xi32, #tpu.memory_space<vmem>> -> memref<128xi32, #tpu.memory_space<vmem>>
    %dma_wait3A_58 = arith.constant 0 : i32
    %dma_wait3A_59 = arith.constant 0 : i32
    %dma_wait3A_60 = tpu.memref_slice %arg3[%dma_wait3A_58, %dma_wait3A_59] : memref<1000000x128xf32, #tpu.memory_space<hbm>> -> memref<1000000x128xf32, #tpu.memory_space<hbm>>
    tpu.wait_indirect_dma semaphore(%arg10 : memref<!tpu.dma_semaphore, #tpu.memory_space<semaphore_mem>>) src(%dma_wait3A_60 : memref<1000000x128xf32, #tpu.memory_space<hbm>>) dst(%arg7 : memref<128x128xf32, #tpu.memory_space<vmem>>)
    %dma_start3A_61 = arith.constant 256 : i32
    %dma_start3A_62 = tpu.memref_slice %arg5[%dma_start3A_61] : memref<512xi32, #tpu.memory_space<vmem>> -> memref<128xi32, #tpu.memory_space<vmem>>
    %dma_start3A_63 = arith.constant 0 : i32
    %dma_start3A_64 = arith.constant 0 : i32
    %dma_start3A_65 = tpu.memref_slice %arg3[%dma_start3A_63, %dma_start3A_64] : memref<1000000x128xf32, #tpu.memory_space<hbm>> -> memref<1000000x128xf32, #tpu.memory_space<hbm>>
    tpu.enqueue_indirect_dma source(%dma_start3A_65 : memref<1000000x128xf32, #tpu.memory_space<hbm>>) target(%arg6 : memref<128x128xf32, #tpu.memory_space<vmem>>) offsets(%dma_start3A_62 : memref<128xi32, #tpu.memory_space<vmem>>) semaphore(%arg10 : memref<!tpu.dma_semaphore, #tpu.memory_space<semaphore_mem>>)
    %parallel_loop3A_66 = arith.constant 0 : i32
    %parallel_loop3A_67 = arith.constant 128 : i32
    %parallel_loop3A_68 = arith.constant 1 : i32
    scf.for %parallel_loop3A_172 = %parallel_loop3A_66 to %parallel_loop3A_67 step %parallel_loop3A_68  : i32 {
      %parallel_loop3A_173 = arith.constant 0 : i32
      %parallel_loop3A_174 = vector.broadcast %parallel_loop3A_173 : i32 to vector<16xi32>
      %parallel_loop3A_175 = vector.broadcast %parallel_loop3A_172 : i32 to vector<16xi32>
      %parallel_loop3A_176 = arith.addi %parallel_loop3A_174, %parallel_loop3A_175 : vector<16xi32>
      %parallel_loop3A_177 = arith.constant 3 : i32
      %parallel_loop3A_178 = arith.shrui %parallel_loop3A_172, %parallel_loop3A_177 : i32
      %parallel_loop3A_179 = arith.constant 7 : i32
      %parallel_loop3A_180 = arith.andi %parallel_loop3A_172, %parallel_loop3A_179 : i32
      %parallel_loop3A_181 = tpu.vector_load_idx %arg7[%add3A_5, %parallel_loop3A_176] : memref<128x128xf32, #tpu.memory_space<vmem>>[vector<16xi32>, vector<16xi32>], vector<16xf32>,
      %parallel_loop3A_182 = arith.index_cast %parallel_loop3A_178 : i32 to index
      %parallel_loop3A_183 = arith.index_cast %parallel_loop3A_180 : i32 to index
      %parallel_loop3A_184 = arith.constant 0 : index
      %parallel_loop3A_185 = tpu.vector_load %arg9[%parallel_loop3A_182, %parallel_loop3A_183, %parallel_loop3A_184] {strides = array<i32>} : memref<16x8x128xf32, #tpu.memory_space<vmem>>, vector<16xf32>,
      tpu.vector_store %arg9[%parallel_loop3A_182, %parallel_loop3A_183, %parallel_loop3A_184], %parallel_loop3A_181 {strides = array<i32>} : memref<16x8x128xf32, #tpu.memory_space<vmem>>, vector<16xf32>,
      %parallel_loop3A_186 = tpu.vector_load_idx %arg7[%add3A_8, %parallel_loop3A_176] : memref<128x128xf32, #tpu.memory_space<vmem>>[vector<16xi32>, vector<16xi32>], vector<16xf32>,
      %parallel_loop3A_187 = arith.index_cast %parallel_loop3A_178 : i32 to index
      %parallel_loop3A_188 = arith.index_cast %parallel_loop3A_180 : i32 to index
      %parallel_loop3A_189 = arith.constant 16 : index
      %parallel_loop3A_190 = tpu.vector_load %arg9[%parallel_loop3A_187, %parallel_loop3A_188, %parallel_loop3A_189] {strides = array<i32>} : memref<16x8x128xf32, #tpu.memory_space<vmem>>, vector<16xf32>,
      tpu.vector_store %arg9[%parallel_loop3A_187, %parallel_loop3A_188, %parallel_loop3A_189], %parallel_loop3A_186 {strides = array<i32>} : memref<16x8x128xf32, #tpu.memory_space<vmem>>, vector<16xf32>,
      %parallel_loop3A_191 = tpu.vector_load_idx %arg7[%add3A_11, %parallel_loop3A_176] : memref<128x128xf32, #tpu.memory_space<vmem>>[vector<16xi32>, vector<16xi32>], vector<16xf32>,
      %parallel_loop3A_192 = arith.index_cast %parallel_loop3A_178 : i32 to index
      %parallel_loop3A_193 = arith.index_cast %parallel_loop3A_180 : i32 to index
      %parallel_loop3A_194 = arith.constant 32 : index
      %parallel_loop3A_195 = tpu.vector_load %arg9[%parallel_loop3A_192, %parallel_loop3A_193, %parallel_loop3A_194] {strides = array<i32>} : memref<16x8x128xf32, #tpu.memory_space<vmem>>, vector<16xf32>,
      tpu.vector_store %arg9[%parallel_loop3A_192, %parallel_loop3A_193, %parallel_loop3A_194], %parallel_loop3A_191 {strides = array<i32>} : memref<16x8x128xf32, #tpu.memory_space<vmem>>, vector<16xf32>,
      %parallel_loop3A_196 = tpu.vector_load_idx %arg7[%add3A_14, %parallel_loop3A_176] : memref<128x128xf32, #tpu.memory_space<vmem>>[vector<16xi32>, vector<16xi32>], vector<16xf32>,
      %parallel_loop3A_197 = arith.index_cast %parallel_loop3A_178 : i32 to index
      %parallel_loop3A_198 = arith.index_cast %parallel_loop3A_180 : i32 to index
      %parallel_loop3A_199 = arith.constant 48 : index
      %parallel_loop3A_200 = tpu.vector_load %arg9[%parallel_loop3A_197, %parallel_loop3A_198, %parallel_loop3A_199] {strides = array<i32>} : memref<16x8x128xf32, #tpu.memory_space<vmem>>, vector<16xf32>,
      tpu.vector_store %arg9[%parallel_loop3A_197, %parallel_loop3A_198, %parallel_loop3A_199], %parallel_loop3A_196 {strides = array<i32>} : memref<16x8x128xf32, #tpu.memory_space<vmem>>, vector<16xf32>,
      %parallel_loop3A_201 = tpu.vector_load_idx %arg7[%add3A_17, %parallel_loop3A_176] : memref<128x128xf32, #tpu.memory_space<vmem>>[vector<16xi32>, vector<16xi32>], vector<16xf32>,
      %parallel_loop3A_202 = arith.index_cast %parallel_loop3A_178 : i32 to index
      %parallel_loop3A_203 = arith.index_cast %parallel_loop3A_180 : i32 to index
      %parallel_loop3A_204 = arith.constant 64 : index
      %parallel_loop3A_205 = tpu.vector_load %arg9[%parallel_loop3A_202, %parallel_loop3A_203, %parallel_loop3A_204] {strides = array<i32>} : memref<16x8x128xf32, #tpu.memory_space<vmem>>, vector<16xf32>,
      tpu.vector_store %arg9[%parallel_loop3A_202, %parallel_loop3A_203, %parallel_loop3A_204], %parallel_loop3A_201 {strides = array<i32>} : memref<16x8x128xf32, #tpu.memory_space<vmem>>, vector<16xf32>,
      %parallel_loop3A_206 = tpu.vector_load_idx %arg7[%add3A_20, %parallel_loop3A_176] : memref<128x128xf32, #tpu.memory_space<vmem>>[vector<16xi32>, vector<16xi32>], vector<16xf32>,
      %parallel_loop3A_207 = arith.index_cast %parallel_loop3A_178 : i32 to index
      %parallel_loop3A_208 = arith.index_cast %parallel_loop3A_180 : i32 to index
      %parallel_loop3A_209 = arith.constant 80 : index
      %parallel_loop3A_210 = tpu.vector_load %arg9[%parallel_loop3A_207, %parallel_loop3A_208, %parallel_loop3A_209] {strides = array<i32>} : memref<16x8x128xf32, #tpu.memory_space<vmem>>, vector<16xf32>,
      tpu.vector_store %arg9[%parallel_loop3A_207, %parallel_loop3A_208, %parallel_loop3A_209], %parallel_loop3A_206 {strides = array<i32>} : memref<16x8x128xf32, #tpu.memory_space<vmem>>, vector<16xf32>,
      %parallel_loop3A_211 = tpu.vector_load_idx %arg7[%add3A_23, %parallel_loop3A_176] : memref<128x128xf32, #tpu.memory_space<vmem>>[vector<16xi32>, vector<16xi32>], vector<16xf32>,
      %parallel_loop3A_212 = arith.index_cast %parallel_loop3A_178 : i32 to index
      %parallel_loop3A_213 = arith.index_cast %parallel_loop3A_180 : i32 to index
      %parallel_loop3A_214 = arith.constant 96 : index
      %parallel_loop3A_215 = tpu.vector_load %arg9[%parallel_loop3A_212, %parallel_loop3A_213, %parallel_loop3A_214] {strides = array<i32>} : memref<16x8x128xf32, #tpu.memory_space<vmem>>, vector<16xf32>,
      tpu.vector_store %arg9[%parallel_loop3A_212, %parallel_loop3A_213, %parallel_loop3A_214], %parallel_loop3A_211 {strides = array<i32>} : memref<16x8x128xf32, #tpu.memory_space<vmem>>, vector<16xf32>,
      %parallel_loop3A_216 = tpu.vector_load_idx %arg7[%add3A_26, %parallel_loop3A_176] : memref<128x128xf32, #tpu.memory_space<vmem>>[vector<16xi32>, vector<16xi32>], vector<16xf32>,
      %parallel_loop3A_217 = arith.index_cast %parallel_loop3A_178 : i32 to index
      %parallel_loop3A_218 = arith.index_cast %parallel_loop3A_180 : i32 to index
      %parallel_loop3A_219 = arith.constant 112 : index
      %parallel_loop3A_220 = tpu.vector_load %arg9[%parallel_loop3A_217, %parallel_loop3A_218, %parallel_loop3A_219] {strides = array<i32>} : memref<16x8x128xf32, #tpu.memory_space<vmem>>, vector<16xf32>,
      tpu.vector_store %arg9[%parallel_loop3A_217, %parallel_loop3A_218, %parallel_loop3A_219], %parallel_loop3A_216 {strides = array<i32>} : memref<16x8x128xf32, #tpu.memory_space<vmem>>, vector<16xf32>,
    } {sc.loop_unroll_factor = 4 : i64, sc.parallel_access}
    %mul3A_69 = arith.constant 4 : i32
    %mul3A_70 = arith.muli %add3A, %mul3A_69 : i32
    %add3A_71 = arith.constant 1 : i32
    %add3A_72 = arith.addi %mul3A_70, %add3A_71 : i32
    %dma_start3A_73 = arith.constant 0 : i32
    %dma_start3A_74 = arith.constant 0 : i32
    %dma_start3A_75 = arith.constant 0 : i32
    %dma_start3A_76 = tpu.memref_slice %arg4[%dma_start3A_73, %add3A_72, %dma_start3A_74, %dma_start3A_75] : memref<16x128x8x128xf32, #tpu.memory_space<hbm>> -> memref<16x1x8x128xf32, #tpu.memory_space<hbm>>
    %dma_start3A_77 = tpu.memref_squeeze %dma_start3A_76 : memref<16x1x8x128xf32, #tpu.memory_space<hbm>> -> memref<16x8x128xf32, #tpu.memory_space<hbm>>
    %dma_start3A_78 = arith.constant 0 : i32
    %dma_start3A_79 = arith.constant 0 : i32
    %dma_start3A_80 = arith.constant 0 : i32
    %dma_start3A_81 = tpu.memref_slice %arg4[%dma_start3A_78, %add3A_72, %dma_start3A_79, %dma_start3A_80] : memref<16x128x8x128xf32, #tpu.memory_space<hbm>> -> memref<16x1x8x128xf32, #tpu.memory_space<hbm>>
    %dma_start3A_82 = tpu.memref_squeeze %dma_start3A_81 : memref<16x1x8x128xf32, #tpu.memory_space<hbm>> -> memref<16x8x128xf32, #tpu.memory_space<hbm>>
    tpu.enqueue_dma source(%arg9 : memref<16x8x128xf32, #tpu.memory_space<vmem>>) target(%dma_start3A_82 : memref<16x8x128xf32, #tpu.memory_space<hbm>>) target_semaphore(%arg11 : memref<!tpu.dma_semaphore, #tpu.memory_space<semaphore_mem>>)
    %dma_wait3A_83 = arith.constant 256 : i32
    %dma_wait3A_84 = tpu.memref_slice %arg5[%dma_wait3A_83] : memref<512xi32, #tpu.memory_space<vmem>> -> memref<128xi32, #tpu.memory_space<vmem>>
    %dma_wait3A_85 = arith.constant 0 : i32
    %dma_wait3A_86 = arith.constant 0 : i32
    %dma_wait3A_87 = tpu.memref_slice %arg3[%dma_wait3A_85, %dma_wait3A_86] : memref<1000000x128xf32, #tpu.memory_space<hbm>> -> memref<1000000x128xf32, #tpu.memory_space<hbm>>
    tpu.wait_indirect_dma semaphore(%arg10 : memref<!tpu.dma_semaphore, #tpu.memory_space<semaphore_mem>>) src(%dma_wait3A_87 : memref<1000000x128xf32, #tpu.memory_space<hbm>>) dst(%arg6 : memref<128x128xf32, #tpu.memory_space<vmem>>)
    %dma_start3A_88 = arith.constant 384 : i32
    %dma_start3A_89 = tpu.memref_slice %arg5[%dma_start3A_88] : memref<512xi32, #tpu.memory_space<vmem>> -> memref<128xi32, #tpu.memory_space<vmem>>
    %dma_start3A_90 = arith.constant 0 : i32
    %dma_start3A_91 = arith.constant 0 : i32
    %dma_start3A_92 = tpu.memref_slice %arg3[%dma_start3A_90, %dma_start3A_91] : memref<1000000x128xf32, #tpu.memory_space<hbm>> -> memref<1000000x128xf32, #tpu.memory_space<hbm>>
    tpu.enqueue_indirect_dma source(%dma_start3A_92 : memref<1000000x128xf32, #tpu.memory_space<hbm>>) target(%arg7 : memref<128x128xf32, #tpu.memory_space<vmem>>) offsets(%dma_start3A_89 : memref<128xi32, #tpu.memory_space<vmem>>) semaphore(%arg10 : memref<!tpu.dma_semaphore, #tpu.memory_space<semaphore_mem>>)
    %dma_wait3A_93 = arith.constant 0 : i32
    %dma_wait3A_94 = arith.constant 0 : i32
    %dma_wait3A_95 = arith.constant 0 : i32
    %dma_wait3A_96 = tpu.memref_slice %arg4[%dma_wait3A_93, %add3A_45, %dma_wait3A_94, %dma_wait3A_95] : memref<16x128x8x128xf32, #tpu.memory_space<hbm>> -> memref<16x1x8x128xf32, #tpu.memory_space<hbm>>
    %dma_wait3A_97 = tpu.memref_squeeze %dma_wait3A_96 : memref<16x1x8x128xf32, #tpu.memory_space<hbm>> -> memref<16x8x128xf32, #tpu.memory_space<hbm>>
    %dma_wait3A_98 = arith.constant 0 : i32
    %dma_wait3A_99 = arith.constant 0 : i32
    %dma_wait3A_100 = arith.constant 0 : i32
    %dma_wait3A_101 = tpu.memref_slice %arg4[%dma_wait3A_98, %add3A_45, %dma_wait3A_99, %dma_wait3A_100] : memref<16x128x8x128xf32, #tpu.memory_space<hbm>> -> memref<16x1x8x128xf32, #tpu.memory_space<hbm>>
    %dma_wait3A_102 = tpu.memref_squeeze %dma_wait3A_101 : memref<16x1x8x128xf32, #tpu.memory_space<hbm>> -> memref<16x8x128xf32, #tpu.memory_space<hbm>>
    tpu.wait_dma2 semaphore(%arg11 : memref<!tpu.dma_semaphore, #tpu.memory_space<semaphore_mem>>) src(%arg8 : memref<16x8x128xf32, #tpu.memory_space<vmem>>) dst(%dma_wait3A_102 : memref<16x8x128xf32, #tpu.memory_space<hbm>>)
    %parallel_loop3A_103 = arith.constant 0 : i32
    %parallel_loop3A_104 = arith.constant 128 : i32
    %parallel_loop3A_105 = arith.constant 1 : i32
    scf.for %parallel_loop3A_172 = %parallel_loop3A_103 to %parallel_loop3A_104 step %parallel_loop3A_105  : i32 {
      %parallel_loop3A_173 = arith.constant 0 : i32
      %parallel_loop3A_174 = vector.broadcast %parallel_loop3A_173 : i32 to vector<16xi32>
      %parallel_loop3A_175 = vector.broadcast %parallel_loop3A_172 : i32 to vector<16xi32>
      %parallel_loop3A_176 = arith.addi %parallel_loop3A_174, %parallel_loop3A_175 : vector<16xi32>
      %parallel_loop3A_177 = arith.constant 3 : i32
      %parallel_loop3A_178 = arith.shrui %parallel_loop3A_172, %parallel_loop3A_177 : i32
      %parallel_loop3A_179 = arith.constant 7 : i32
      %parallel_loop3A_180 = arith.andi %parallel_loop3A_172, %parallel_loop3A_179 : i32
      %parallel_loop3A_181 = tpu.vector_load_idx %arg6[%add3A_5, %parallel_loop3A_176] : memref<128x128xf32, #tpu.memory_space<vmem>>[vector<16xi32>, vector<16xi32>], vector<16xf32>,
      %parallel_loop3A_182 = arith.index_cast %parallel_loop3A_178 : i32 to index
      %parallel_loop3A_183 = arith.index_cast %parallel_loop3A_180 : i32 to index
      %parallel_loop3A_184 = arith.constant 0 : index
      %parallel_loop3A_185 = tpu.vector_load %arg8[%parallel_loop3A_182, %parallel_loop3A_183, %parallel_loop3A_184] {strides = array<i32>} : memref<16x8x128xf32, #tpu.memory_space<vmem>>, vector<16xf32>,
      tpu.vector_store %arg8[%parallel_loop3A_182, %parallel_loop3A_183, %parallel_loop3A_184], %parallel_loop3A_181 {strides = array<i32>} : memref<16x8x128xf32, #tpu.memory_space<vmem>>, vector<16xf32>,
      %parallel_loop3A_186 = tpu.vector_load_idx %arg6[%add3A_8, %parallel_loop3A_176] : memref<128x128xf32, #tpu.memory_space<vmem>>[vector<16xi32>, vector<16xi32>], vector<16xf32>,
      %parallel_loop3A_187 = arith.index_cast %parallel_loop3A_178 : i32 to index
      %parallel_loop3A_188 = arith.index_cast %parallel_loop3A_180 : i32 to index
      %parallel_loop3A_189 = arith.constant 16 : index
      %parallel_loop3A_190 = tpu.vector_load %arg8[%parallel_loop3A_187, %parallel_loop3A_188, %parallel_loop3A_189] {strides = array<i32>} : memref<16x8x128xf32, #tpu.memory_space<vmem>>, vector<16xf32>,
      tpu.vector_store %arg8[%parallel_loop3A_187, %parallel_loop3A_188, %parallel_loop3A_189], %parallel_loop3A_186 {strides = array<i32>} : memref<16x8x128xf32, #tpu.memory_space<vmem>>, vector<16xf32>,
      %parallel_loop3A_191 = tpu.vector_load_idx %arg6[%add3A_11, %parallel_loop3A_176] : memref<128x128xf32, #tpu.memory_space<vmem>>[vector<16xi32>, vector<16xi32>], vector<16xf32>,
      %parallel_loop3A_192 = arith.index_cast %parallel_loop3A_178 : i32 to index
      %parallel_loop3A_193 = arith.index_cast %parallel_loop3A_180 : i32 to index
      %parallel_loop3A_194 = arith.constant 32 : index
      %parallel_loop3A_195 = tpu.vector_load %arg8[%parallel_loop3A_192, %parallel_loop3A_193, %parallel_loop3A_194] {strides = array<i32>} : memref<16x8x128xf32, #tpu.memory_space<vmem>>, vector<16xf32>,
      tpu.vector_store %arg8[%parallel_loop3A_192, %parallel_loop3A_193, %parallel_loop3A_194], %parallel_loop3A_191 {strides = array<i32>} : memref<16x8x128xf32, #tpu.memory_space<vmem>>, vector<16xf32>,
      %parallel_loop3A_196 = tpu.vector_load_idx %arg6[%add3A_14, %parallel_loop3A_176] : memref<128x128xf32, #tpu.memory_space<vmem>>[vector<16xi32>, vector<16xi32>], vector<16xf32>,
      %parallel_loop3A_197 = arith.index_cast %parallel_loop3A_178 : i32 to index
      %parallel_loop3A_198 = arith.index_cast %parallel_loop3A_180 : i32 to index
      %parallel_loop3A_199 = arith.constant 48 : index
      %parallel_loop3A_200 = tpu.vector_load %arg8[%parallel_loop3A_197, %parallel_loop3A_198, %parallel_loop3A_199] {strides = array<i32>} : memref<16x8x128xf32, #tpu.memory_space<vmem>>, vector<16xf32>,
      tpu.vector_store %arg8[%parallel_loop3A_197, %parallel_loop3A_198, %parallel_loop3A_199], %parallel_loop3A_196 {strides = array<i32>} : memref<16x8x128xf32, #tpu.memory_space<vmem>>, vector<16xf32>,
      %parallel_loop3A_201 = tpu.vector_load_idx %arg6[%add3A_17, %parallel_loop3A_176] : memref<128x128xf32, #tpu.memory_space<vmem>>[vector<16xi32>, vector<16xi32>], vector<16xf32>,
      %parallel_loop3A_202 = arith.index_cast %parallel_loop3A_178 : i32 to index
      %parallel_loop3A_203 = arith.index_cast %parallel_loop3A_180 : i32 to index
      %parallel_loop3A_204 = arith.constant 64 : index
      %parallel_loop3A_205 = tpu.vector_load %arg8[%parallel_loop3A_202, %parallel_loop3A_203, %parallel_loop3A_204] {strides = array<i32>} : memref<16x8x128xf32, #tpu.memory_space<vmem>>, vector<16xf32>,
      tpu.vector_store %arg8[%parallel_loop3A_202, %parallel_loop3A_203, %parallel_loop3A_204], %parallel_loop3A_201 {strides = array<i32>} : memref<16x8x128xf32, #tpu.memory_space<vmem>>, vector<16xf32>,
      %parallel_loop3A_206 = tpu.vector_load_idx %arg6[%add3A_20, %parallel_loop3A_176] : memref<128x128xf32, #tpu.memory_space<vmem>>[vector<16xi32>, vector<16xi32>], vector<16xf32>,
      %parallel_loop3A_207 = arith.index_cast %parallel_loop3A_178 : i32 to index
      %parallel_loop3A_208 = arith.index_cast %parallel_loop3A_180 : i32 to index
      %parallel_loop3A_209 = arith.constant 80 : index
      %parallel_loop3A_210 = tpu.vector_load %arg8[%parallel_loop3A_207, %parallel_loop3A_208, %parallel_loop3A_209] {strides = array<i32>} : memref<16x8x128xf32, #tpu.memory_space<vmem>>, vector<16xf32>,
      tpu.vector_store %arg8[%parallel_loop3A_207, %parallel_loop3A_208, %parallel_loop3A_209], %parallel_loop3A_206 {strides = array<i32>} : memref<16x8x128xf32, #tpu.memory_space<vmem>>, vector<16xf32>,
      %parallel_loop3A_211 = tpu.vector_load_idx %arg6[%add3A_23, %parallel_loop3A_176] : memref<128x128xf32, #tpu.memory_space<vmem>>[vector<16xi32>, vector<16xi32>], vector<16xf32>,
      %parallel_loop3A_212 = arith.index_cast %parallel_loop3A_178 : i32 to index
      %parallel_loop3A_213 = arith.index_cast %parallel_loop3A_180 : i32 to index
      %parallel_loop3A_214 = arith.constant 96 : index
      %parallel_loop3A_215 = tpu.vector_load %arg8[%parallel_loop3A_212, %parallel_loop3A_213, %parallel_loop3A_214] {strides = array<i32>} : memref<16x8x128xf32, #tpu.memory_space<vmem>>, vector<16xf32>,
      tpu.vector_store %arg8[%parallel_loop3A_212, %parallel_loop3A_213, %parallel_loop3A_214], %parallel_loop3A_211 {strides = array<i32>} : memref<16x8x128xf32, #tpu.memory_space<vmem>>, vector<16xf32>,
      %parallel_loop3A_216 = tpu.vector_load_idx %arg6[%add3A_26, %parallel_loop3A_176] : memref<128x128xf32, #tpu.memory_space<vmem>>[vector<16xi32>, vector<16xi32>], vector<16xf32>,
      %parallel_loop3A_217 = arith.index_cast %parallel_loop3A_178 : i32 to index
      %parallel_loop3A_218 = arith.index_cast %parallel_loop3A_180 : i32 to index
      %parallel_loop3A_219 = arith.constant 112 : index
      %parallel_loop3A_220 = tpu.vector_load %arg8[%parallel_loop3A_217, %parallel_loop3A_218, %parallel_loop3A_219] {strides = array<i32>} : memref<16x8x128xf32, #tpu.memory_space<vmem>>, vector<16xf32>,
      tpu.vector_store %arg8[%parallel_loop3A_217, %parallel_loop3A_218, %parallel_loop3A_219], %parallel_loop3A_216 {strides = array<i32>} : memref<16x8x128xf32, #tpu.memory_space<vmem>>, vector<16xf32>,
    } {sc.loop_unroll_factor = 4 : i64, sc.parallel_access}
    %mul3A_106 = arith.constant 4 : i32
    %mul3A_107 = arith.muli %add3A, %mul3A_106 : i32
    %add3A_108 = arith.constant 2 : i32
    %add3A_109 = arith.addi %mul3A_107, %add3A_108 : i32
    %dma_start3A_110 = arith.constant 0 : i32
    %dma_start3A_111 = arith.constant 0 : i32
    %dma_start3A_112 = arith.constant 0 : i32
    %dma_start3A_113 = tpu.memref_slice %arg4[%dma_start3A_110, %add3A_109, %dma_start3A_111, %dma_start3A_112] : memref<16x128x8x128xf32, #tpu.memory_space<hbm>> -> memref<16x1x8x128xf32, #tpu.memory_space<hbm>>
    %dma_start3A_114 = tpu.memref_squeeze %dma_start3A_113 : memref<16x1x8x128xf32, #tpu.memory_space<hbm>> -> memref<16x8x128xf32, #tpu.memory_space<hbm>>
    %dma_start3A_115 = arith.constant 0 : i32
    %dma_start3A_116 = arith.constant 0 : i32
    %dma_start3A_117 = arith.constant 0 : i32
    %dma_start3A_118 = tpu.memref_slice %arg4[%dma_start3A_115, %add3A_109, %dma_start3A_116, %dma_start3A_117] : memref<16x128x8x128xf32, #tpu.memory_space<hbm>> -> memref<16x1x8x128xf32, #tpu.memory_space<hbm>>
    %dma_start3A_119 = tpu.memref_squeeze %dma_start3A_118 : memref<16x1x8x128xf32, #tpu.memory_space<hbm>> -> memref<16x8x128xf32, #tpu.memory_space<hbm>>
    tpu.enqueue_dma source(%arg8 : memref<16x8x128xf32, #tpu.memory_space<vmem>>) target(%dma_start3A_119 : memref<16x8x128xf32, #tpu.memory_space<hbm>>) target_semaphore(%arg11 : memref<!tpu.dma_semaphore, #tpu.memory_space<semaphore_mem>>)
    %dma_wait3A_120 = arith.constant 384 : i32
    %dma_wait3A_121 = tpu.memref_slice %arg5[%dma_wait3A_120] : memref<512xi32, #tpu.memory_space<vmem>> -> memref<128xi32, #tpu.memory_space<vmem>>
    %dma_wait3A_122 = arith.constant 0 : i32
    %dma_wait3A_123 = arith.constant 0 : i32
    %dma_wait3A_124 = tpu.memref_slice %arg3[%dma_wait3A_122, %dma_wait3A_123] : memref<1000000x128xf32, #tpu.memory_space<hbm>> -> memref<1000000x128xf32, #tpu.memory_space<hbm>>
    tpu.wait_indirect_dma semaphore(%arg10 : memref<!tpu.dma_semaphore, #tpu.memory_space<semaphore_mem>>) src(%dma_wait3A_124 : memref<1000000x128xf32, #tpu.memory_space<hbm>>) dst(%arg7 : memref<128x128xf32, #tpu.memory_space<vmem>>)
    %dma_wait3A_125 = arith.constant 0 : i32
    %dma_wait3A_126 = arith.constant 0 : i32
    %dma_wait3A_127 = arith.constant 0 : i32
    %dma_wait3A_128 = tpu.memref_slice %arg4[%dma_wait3A_125, %add3A_72, %dma_wait3A_126, %dma_wait3A_127] : memref<16x128x8x128xf32, #tpu.memory_space<hbm>> -> memref<16x1x8x128xf32, #tpu.memory_space<hbm>>
    %dma_wait3A_129 = tpu.memref_squeeze %dma_wait3A_128 : memref<16x1x8x128xf32, #tpu.memory_space<hbm>> -> memref<16x8x128xf32, #tpu.memory_space<hbm>>
    %dma_wait3A_130 = arith.constant 0 : i32
    %dma_wait3A_131 = arith.constant 0 : i32
    %dma_wait3A_132 = arith.constant 0 : i32
    %dma_wait3A_133 = tpu.memref_slice %arg4[%dma_wait3A_130, %add3A_72, %dma_wait3A_131, %dma_wait3A_132] : memref<16x128x8x128xf32, #tpu.memory_space<hbm>> -> memref<16x1x8x128xf32, #tpu.memory_space<hbm>>
    %dma_wait3A_134 = tpu.memref_squeeze %dma_wait3A_133 : memref<16x1x8x128xf32, #tpu.memory_space<hbm>> -> memref<16x8x128xf32, #tpu.memory_space<hbm>>
    tpu.wait_dma2 semaphore(%arg11 : memref<!tpu.dma_semaphore, #tpu.memory_space<semaphore_mem>>) src(%arg9 : memref<16x8x128xf32, #tpu.memory_space<vmem>>) dst(%dma_wait3A_134 : memref<16x8x128xf32, #tpu.memory_space<hbm>>)
    %parallel_loop3A_135 = arith.constant 0 : i32
    %parallel_loop3A_136 = arith.constant 128 : i32
    %parallel_loop3A_137 = arith.constant 1 : i32
    scf.for %parallel_loop3A_172 = %parallel_loop3A_135 to %parallel_loop3A_136 step %parallel_loop3A_137  : i32 {
      %parallel_loop3A_173 = arith.constant 0 : i32
      %parallel_loop3A_174 = vector.broadcast %parallel_loop3A_173 : i32 to vector<16xi32>
      %parallel_loop3A_175 = vector.broadcast %parallel_loop3A_172 : i32 to vector<16xi32>
      %parallel_loop3A_176 = arith.addi %parallel_loop3A_174, %parallel_loop3A_175 : vector<16xi32>
      %parallel_loop3A_177 = arith.constant 3 : i32
      %parallel_loop3A_178 = arith.shrui %parallel_loop3A_172, %parallel_loop3A_177 : i32
      %parallel_loop3A_179 = arith.constant 7 : i32
      %parallel_loop3A_180 = arith.andi %parallel_loop3A_172, %parallel_loop3A_179 : i32
      %parallel_loop3A_181 = tpu.vector_load_idx %arg7[%add3A_5, %parallel_loop3A_176] : memref<128x128xf32, #tpu.memory_space<vmem>>[vector<16xi32>, vector<16xi32>], vector<16xf32>,
      %parallel_loop3A_182 = arith.index_cast %parallel_loop3A_178 : i32 to index
      %parallel_loop3A_183 = arith.index_cast %parallel_loop3A_180 : i32 to index
      %parallel_loop3A_184 = arith.constant 0 : index
      %parallel_loop3A_185 = tpu.vector_load %arg9[%parallel_loop3A_182, %parallel_loop3A_183, %parallel_loop3A_184] {strides = array<i32>} : memref<16x8x128xf32, #tpu.memory_space<vmem>>, vector<16xf32>,
      tpu.vector_store %arg9[%parallel_loop3A_182, %parallel_loop3A_183, %parallel_loop3A_184], %parallel_loop3A_181 {strides = array<i32>} : memref<16x8x128xf32, #tpu.memory_space<vmem>>, vector<16xf32>,
      %parallel_loop3A_186 = tpu.vector_load_idx %arg7[%add3A_8, %parallel_loop3A_176] : memref<128x128xf32, #tpu.memory_space<vmem>>[vector<16xi32>, vector<16xi32>], vector<16xf32>,
      %parallel_loop3A_187 = arith.index_cast %parallel_loop3A_178 : i32 to index
      %parallel_loop3A_188 = arith.index_cast %parallel_loop3A_180 : i32 to index
      %parallel_loop3A_189 = arith.constant 16 : index
      %parallel_loop3A_190 = tpu.vector_load %arg9[%parallel_loop3A_187, %parallel_loop3A_188, %parallel_loop3A_189] {strides = array<i32>} : memref<16x8x128xf32, #tpu.memory_space<vmem>>, vector<16xf32>,
      tpu.vector_store %arg9[%parallel_loop3A_187, %parallel_loop3A_188, %parallel_loop3A_189], %parallel_loop3A_186 {strides = array<i32>} : memref<16x8x128xf32, #tpu.memory_space<vmem>>, vector<16xf32>,
      %parallel_loop3A_191 = tpu.vector_load_idx %arg7[%add3A_11, %parallel_loop3A_176] : memref<128x128xf32, #tpu.memory_space<vmem>>[vector<16xi32>, vector<16xi32>], vector<16xf32>,
      %parallel_loop3A_192 = arith.index_cast %parallel_loop3A_178 : i32 to index
      %parallel_loop3A_193 = arith.index_cast %parallel_loop3A_180 : i32 to index
      %parallel_loop3A_194 = arith.constant 32 : index
      %parallel_loop3A_195 = tpu.vector_load %arg9[%parallel_loop3A_192, %parallel_loop3A_193, %parallel_loop3A_194] {strides = array<i32>} : memref<16x8x128xf32, #tpu.memory_space<vmem>>, vector<16xf32>,
      tpu.vector_store %arg9[%parallel_loop3A_192, %parallel_loop3A_193, %parallel_loop3A_194], %parallel_loop3A_191 {strides = array<i32>} : memref<16x8x128xf32, #tpu.memory_space<vmem>>, vector<16xf32>,
      %parallel_loop3A_196 = tpu.vector_load_idx %arg7[%add3A_14, %parallel_loop3A_176] : memref<128x128xf32, #tpu.memory_space<vmem>>[vector<16xi32>, vector<16xi32>], vector<16xf32>,
      %parallel_loop3A_197 = arith.index_cast %parallel_loop3A_178 : i32 to index
      %parallel_loop3A_198 = arith.index_cast %parallel_loop3A_180 : i32 to index
      %parallel_loop3A_199 = arith.constant 48 : index
      %parallel_loop3A_200 = tpu.vector_load %arg9[%parallel_loop3A_197, %parallel_loop3A_198, %parallel_loop3A_199] {strides = array<i32>} : memref<16x8x128xf32, #tpu.memory_space<vmem>>, vector<16xf32>,
      tpu.vector_store %arg9[%parallel_loop3A_197, %parallel_loop3A_198, %parallel_loop3A_199], %parallel_loop3A_196 {strides = array<i32>} : memref<16x8x128xf32, #tpu.memory_space<vmem>>, vector<16xf32>,
      %parallel_loop3A_201 = tpu.vector_load_idx %arg7[%add3A_17, %parallel_loop3A_176] : memref<128x128xf32, #tpu.memory_space<vmem>>[vector<16xi32>, vector<16xi32>], vector<16xf32>,
      %parallel_loop3A_202 = arith.index_cast %parallel_loop3A_178 : i32 to index
      %parallel_loop3A_203 = arith.index_cast %parallel_loop3A_180 : i32 to index
      %parallel_loop3A_204 = arith.constant 64 : index
      %parallel_loop3A_205 = tpu.vector_load %arg9[%parallel_loop3A_202, %parallel_loop3A_203, %parallel_loop3A_204] {strides = array<i32>} : memref<16x8x128xf32, #tpu.memory_space<vmem>>, vector<16xf32>,
      tpu.vector_store %arg9[%parallel_loop3A_202, %parallel_loop3A_203, %parallel_loop3A_204], %parallel_loop3A_201 {strides = array<i32>} : memref<16x8x128xf32, #tpu.memory_space<vmem>>, vector<16xf32>,
      %parallel_loop3A_206 = tpu.vector_load_idx %arg7[%add3A_20, %parallel_loop3A_176] : memref<128x128xf32, #tpu.memory_space<vmem>>[vector<16xi32>, vector<16xi32>], vector<16xf32>,
      %parallel_loop3A_207 = arith.index_cast %parallel_loop3A_178 : i32 to index
      %parallel_loop3A_208 = arith.index_cast %parallel_loop3A_180 : i32 to index
      %parallel_loop3A_209 = arith.constant 80 : index
      %parallel_loop3A_210 = tpu.vector_load %arg9[%parallel_loop3A_207, %parallel_loop3A_208, %parallel_loop3A_209] {strides = array<i32>} : memref<16x8x128xf32, #tpu.memory_space<vmem>>, vector<16xf32>,
      tpu.vector_store %arg9[%parallel_loop3A_207, %parallel_loop3A_208, %parallel_loop3A_209], %parallel_loop3A_206 {strides = array<i32>} : memref<16x8x128xf32, #tpu.memory_space<vmem>>, vector<16xf32>,
      %parallel_loop3A_211 = tpu.vector_load_idx %arg7[%add3A_23, %parallel_loop3A_176] : memref<128x128xf32, #tpu.memory_space<vmem>>[vector<16xi32>, vector<16xi32>], vector<16xf32>,
      %parallel_loop3A_212 = arith.index_cast %parallel_loop3A_178 : i32 to index
      %parallel_loop3A_213 = arith.index_cast %parallel_loop3A_180 : i32 to index
      %parallel_loop3A_214 = arith.constant 96 : index
      %parallel_loop3A_215 = tpu.vector_load %arg9[%parallel_loop3A_212, %parallel_loop3A_213, %parallel_loop3A_214] {strides = array<i32>} : memref<16x8x128xf32, #tpu.memory_space<vmem>>, vector<16xf32>,
      tpu.vector_store %arg9[%parallel_loop3A_212, %parallel_loop3A_213, %parallel_loop3A_214], %parallel_loop3A_211 {strides = array<i32>} : memref<16x8x128xf32, #tpu.memory_space<vmem>>, vector<16xf32>,
      %parallel_loop3A_216 = tpu.vector_load_idx %arg7[%add3A_26, %parallel_loop3A_176] : memref<128x128xf32, #tpu.memory_space<vmem>>[vector<16xi32>, vector<16xi32>], vector<16xf32>,
      %parallel_loop3A_217 = arith.index_cast %parallel_loop3A_178 : i32 to index
      %parallel_loop3A_218 = arith.index_cast %parallel_loop3A_180 : i32 to index
      %parallel_loop3A_219 = arith.constant 112 : index
      %parallel_loop3A_220 = tpu.vector_load %arg9[%parallel_loop3A_217, %parallel_loop3A_218, %parallel_loop3A_219] {strides = array<i32>} : memref<16x8x128xf32, #tpu.memory_space<vmem>>, vector<16xf32>,
      tpu.vector_store %arg9[%parallel_loop3A_217, %parallel_loop3A_218, %parallel_loop3A_219], %parallel_loop3A_216 {strides = array<i32>} : memref<16x8x128xf32, #tpu.memory_space<vmem>>, vector<16xf32>,
    } {sc.loop_unroll_factor = 4 : i64, sc.parallel_access}
    %mul3A_138 = arith.constant 4 : i32
    %mul3A_139 = arith.muli %add3A, %mul3A_138 : i32
    %add3A_140 = arith.constant 3 : i32
    %add3A_141 = arith.addi %mul3A_139, %add3A_140 : i32
    %dma_start3A_142 = arith.constant 0 : i32
    %dma_start3A_143 = arith.constant 0 : i32
    %dma_start3A_144 = arith.constant 0 : i32
    %dma_start3A_145 = tpu.memref_slice %arg4[%dma_start3A_142, %add3A_141, %dma_start3A_143, %dma_start3A_144] : memref<16x128x8x128xf32, #tpu.memory_space<hbm>> -> memref<16x1x8x128xf32, #tpu.memory_space<hbm>>
    %dma_start3A_146 = tpu.memref_squeeze %dma_start3A_145 : memref<16x1x8x128xf32, #tpu.memory_space<hbm>> -> memref<16x8x128xf32, #tpu.memory_space<hbm>>
    %dma_start3A_147 = arith.constant 0 : i32
    %dma_start3A_148 = arith.constant 0 : i32
    %dma_start3A_149 = arith.constant 0 : i32
    %dma_start3A_150 = tpu.memref_slice %arg4[%dma_start3A_147, %add3A_141, %dma_start3A_148, %dma_start3A_149] : memref<16x128x8x128xf32, #tpu.memory_space<hbm>> -> memref<16x1x8x128xf32, #tpu.memory_space<hbm>>
    %dma_start3A_151 = tpu.memref_squeeze %dma_start3A_150 : memref<16x1x8x128xf32, #tpu.memory_space<hbm>> -> memref<16x8x128xf32, #tpu.memory_space<hbm>>
    tpu.enqueue_dma source(%arg9 : memref<16x8x128xf32, #tpu.memory_space<vmem>>) target(%dma_start3A_151 : memref<16x8x128xf32, #tpu.memory_space<hbm>>) target_semaphore(%arg11 : memref<!tpu.dma_semaphore, #tpu.memory_space<semaphore_mem>>)
    %dma_wait3A_152 = arith.constant 0 : i32
    %dma_wait3A_153 = arith.constant 0 : i32
    %dma_wait3A_154 = arith.constant 0 : i32
    %dma_wait3A_155 = tpu.memref_slice %arg4[%dma_wait3A_152, %add3A_109, %dma_wait3A_153, %dma_wait3A_154] : memref<16x128x8x128xf32, #tpu.memory_space<hbm>> -> memref<16x1x8x128xf32, #tpu.memory_space<hbm>>
    %dma_wait3A_156 = tpu.memref_squeeze %dma_wait3A_155 : memref<16x1x8x128xf32, #tpu.memory_space<hbm>> -> memref<16x8x128xf32, #tpu.memory_space<hbm>>
    %dma_wait3A_157 = arith.constant 0 : i32
    %dma_wait3A_158 = arith.constant 0 : i32
    %dma_wait3A_159 = arith.constant 0 : i32
    %dma_wait3A_160 = tpu.memref_slice %arg4[%dma_wait3A_157, %add3A_109, %dma_wait3A_158, %dma_wait3A_159] : memref<16x128x8x128xf32, #tpu.memory_space<hbm>> -> memref<16x1x8x128xf32, #tpu.memory_space<hbm>>
    %dma_wait3A_161 = tpu.memref_squeeze %dma_wait3A_160 : memref<16x1x8x128xf32, #tpu.memory_space<hbm>> -> memref<16x8x128xf32, #tpu.memory_space<hbm>>
    tpu.wait_dma2 semaphore(%arg11 : memref<!tpu.dma_semaphore, #tpu.memory_space<semaphore_mem>>) src(%arg8 : memref<16x8x128xf32, #tpu.memory_space<vmem>>) dst(%dma_wait3A_161 : memref<16x8x128xf32, #tpu.memory_space<hbm>>)
    %dma_wait3A_162 = arith.constant 0 : i32
    %dma_wait3A_163 = arith.constant 0 : i32
    %dma_wait3A_164 = arith.constant 0 : i32
    %dma_wait3A_165 = tpu.memref_slice %arg4[%dma_wait3A_162, %add3A_141, %dma_wait3A_163, %dma_wait3A_164] : memref<16x128x8x128xf32, #tpu.memory_space<hbm>> -> memref<16x1x8x128xf32, #tpu.memory_space<hbm>>
    %dma_wait3A_166 = tpu.memref_squeeze %dma_wait3A_165 : memref<16x1x8x128xf32, #tpu.memory_space<hbm>> -> memref<16x8x128xf32, #tpu.memory_space<hbm>>
    %dma_wait3A_167 = arith.constant 0 : i32
    %dma_wait3A_168 = arith.constant 0 : i32
    %dma_wait3A_169 = arith.constant 0 : i32
    %dma_wait3A_170 = tpu.memref_slice %arg4[%dma_wait3A_167, %add3A_141, %dma_wait3A_168, %dma_wait3A_169] : memref<16x128x8x128xf32, #tpu.memory_space<hbm>> -> memref<16x1x8x128xf32, #tpu.memory_space<hbm>>
    %dma_wait3A_171 = tpu.memref_squeeze %dma_wait3A_170 : memref<16x1x8x128xf32, #tpu.memory_space<hbm>> -> memref<16x8x128xf32, #tpu.memory_space<hbm>>
    tpu.wait_dma2 semaphore(%arg11 : memref<!tpu.dma_semaphore, #tpu.memory_space<semaphore_mem>>) src(%arg9 : memref<16x8x128xf32, #tpu.memory_space<vmem>>) dst(%dma_wait3A_171 : memref<16x8x128xf32, #tpu.memory_space<hbm>>)
    return
  }
}

</mosaic_0001>

<sc_bundles>
// kernel: kernel.3.cloned.1.call-start
scs
__scs_entry_jumppad:
0x0: {  	(pc) =	sbr.rel $0x88, $3  }
0x1: {  	(tag) =	ssettag $0x0;
	lr =	simm.s32 $0x1  }
0x2: {  	[smem:$0x3F9F] =	sst lr;
	_ =	strace $0xD0000000  }
0x3: {  	_ = 	snop  }
0x4: {  	_ = 	snop  }
0x5: {  	_ = 	snop  }
0x6: {  	_ = 	snop  }
0x7: {  	_ = 	snop  }
__scs_overlays_trampoline_lowered:
0x8: {  	[smem:$0x3FAE] =	sst s0  }
0x9: {  	[smem:$0x3FAF] =	sst s1  }
0xa: {  	[smem:$0x3FB0] =	sst s2  }
0xb: {  	[smem:$0x3FB1] =	sst s3  }
0xc: {  	[smem:$0x3FB2] =	sst s4  }
0xd: {  	[smem:$0x3FB3] =	sst s5  }
0xe: {  	[smem:$0x3FB4] =	sst s6  }
0xf: {  	[smem:$0x3FB5] =	sst s7  }
0x10: {  	[smem:$0x3FB6] =	sst s8  }
0x11: {  	[smem:$0x3FB7] =	sst s9;
	s0 =	simm.s32 @!p0 $0x0  }
0x12: {  	s1 =	sld [smem:$0x3F9D];
	s0 =	simm.s32 @p0 $0x1  }
0x13: {  	[smem:$0x3FB8] =	sst s0;
	s0 =	simm.s32 @!p1 $0x0  }
0x14: {  	s2 =	sld [smem:$0x3F9C];
	s0 =	simm.s32 @p1 $0x1  }
0x15: {  	[smem:$0x3FB9] =	sst s0;
	s0 =	simm.s32 @!p2 $0x0  }
0x16: {  	s3 =	sld [smem:$0x3FDB];
	s0 =	simm.s32 @p2 $0x1  }
0x17: {  	s4 =	simm.s32 $0x1BF5;
	[smem:$0x3FBB] =	sst s0  }
0x18: {  	s0 =	sld [smem:$0x3F9E];
	_ =	swait.ge [sflag:s4], $0x0  }
0x19: {  	s7 =	sld [smem:$0x3F9F]  }
0x1a: {  	s8 =	sadd.s32 $0xFFFFE003, lr  }
0x1b: {  	s9 =	sadd.s32 $0xFFFFFEF7, lr;
	s5 =	simm.s32 $0xFFFFFFFF;
	p2 =	slt.u32 s8, $0xFFFFF086  }
0x1c: {  	p1 =	slt.u32 s9, $0xF7A;
	s5 =	simm.s32 @!p2 $0x0  }
0x1d: {  	s5 =	simm.s32 @p1 $0x1;
	p0 =	seq.s32 s7, s2  }
0x1e: {  	s7 =	smul.u32 @!p0 $0xF7A, s2;
	p2 =	seq.s32 @!p0 s5, $0x0  }
0x1f: {  	s9 =	smul.u32 $0xF7A, s1;
	s8 =	simm.s32 @!p0 $0x1BF5;
	p2 =	por !p2, p0  }
0x20: {  	[sflag:s8] =	ssyncset.s32 @!p0 $0xFFFFF086;
	s6 =	sadd.s32 @!p0 s3, s7;
	s7 =	simm.s32 @!p0 $0x108  }
0x21: {  	s3 =	sadd.s32 s3, s9;
	s6 =	sadd.s32 @!p0 $0x88, s6;
	s7 =	simm.s32 @p2 $0x1082  }
0x22: {  	[simem:s7], [sflag:s8] =	dma.local @!p0 [hbm:s6], $0xF7A  }
0x23: {  	s9 =	sor.u32 $0xD0000000, s2;
	s6 =	simm.s32 $0x108;
	_ =	swait.ge @!p0 [sflag:s8], $0x0  }
0x24: {  	s3 =	sadd.s32 $0x88, s3;
	s6 =	simm.s32 @!p1 $0x1082;
	[sflag:s4] =	ssyncset.s32 $0xFFFFF086  }
0x25: {  	[simem:s6], [sflag:s4] =	dma.local [hbm:s3], $0xF7A  }
0x26: {  	[smem:$0x3F9F] =	sst s1;
	(tag) =	ssettag s2;
	_ =	strace s9  }
0x27: {  	s1 =	sld [smem:$0x3FAF]  }
0x28: {  	s2 =	sld [smem:$0x3FB0]  }
0x29: {  	s4 =	sld [smem:$0x3FB2]  }
0x2a: {  	p0 =	seq.s32 s5, $0x0;
	s5 =	sld [smem:$0x3FB3]  }
0x2b: {  	s6 =	sld [smem:$0x3FB4]  }
0x2c: {  	s7 =	sld [smem:$0x3FB5]  }
0x2d: {  	s3 =	simm.s32 $0x108;
	s8 =	sld [smem:$0x3FB6]  }
0x2e: {  	s3 =	simm.s32 @!p0 $0x1082;
	s9 =	sld [smem:$0x3FB7]  }
0x2f: {  	lr =	sadd.s32 s0, s3;
	s0 =	sld [smem:$0x3FAE]  }
0x30: {  	s3 =	sld [smem:$0x3FB1]  }
0x31: {  	[smem:$0x3FBA] =	sst s10  }
0x32: {  	s10 =	sld [smem:$0x3FB8];
	_ =	sdelay $0x3  }
0x33: {  	p0 =	seq.s32 s10, $0x1;
	s10 =	sld [smem:$0x3FBA];
	_ =	sdelay $0x3  }
0x34: {  	[smem:$0x3FBA] =	sst s10  }
0x35: {  	s10 =	sld [smem:$0x3FB9];
	_ =	sdelay $0x3  }
0x36: {  	p1 =	seq.s32 s10, $0x1;
	s10 =	sld [smem:$0x3FBA];
	_ =	sdelay $0x3  }
0x37: {  	[smem:$0x3FBA] =	sst s10  }
0x38: {  	s10 =	sld [smem:$0x3FBB]  }
0x39: {  	_ = 	snop;
	(pc) =	sbr.ind lr, $3  }
0x3a: {  	_ = 	snop  }
0x3b: {  	_ = 	snop  }
0x3c: {  	p2 =	seq.s32 s10, $0x1;
	s10 =	sld [smem:$0x3FBA]  }
0x3d: {  	_ =	shalt  }
0x3e: {  	_ =	shalt  }
0x3f: {  	_ =	shalt  }
0x40: {  	_ =	shalt  }
0x41: {  	_ =	shalt  }
0x42: {  	_ =	shalt  }
0x43: {  	_ =	shalt  }
0x44: {  	_ =	shalt  }
0x45: {  	_ =	shalt  }
0x46: {  	_ =	shalt  }
0x47: {  	_ =	shalt  }
0x48: {  	_ =	shalt  }
0x49: {  	_ =	shalt  }
0x4a: {  	_ =	shalt  }
0x4b: {  	_ =	shalt  }
0x4c: {  	_ =	shalt  }
0x4d: {  	_ =	shalt  }
0x4e: {  	_ =	shalt  }
0x4f: {  	_ =	shalt  }
0x50: {  	_ =	shalt  }
0x51: {  	_ =	shalt  }
0x52: {  	_ =	shalt  }
0x53: {  	_ =	shalt  }
0x54: {  	_ =	shalt  }
0x55: {  	_ =	shalt  }
0x56: {  	_ =	shalt  }
0x57: {  	_ =	shalt  }
0x58: {  	_ =	shalt  }
0x59: {  	_ =	shalt  }
0x5a: {  	_ =	shalt  }
0x5b: {  	_ =	shalt  }
0x5c: {  	_ =	shalt  }
0x5d: {  	_ =	shalt  }
0x5e: {  	_ =	shalt  }
0x5f: {  	_ =	shalt  }
0x60: {  	_ =	shalt  }
0x61: {  	_ =	shalt  }
0x62: {  	_ =	shalt  }
0x63: {  	_ =	shalt  }
0x64: {  	_ =	shalt  }
0x65: {  	_ =	shalt  }
0x66: {  	_ =	shalt  }
0x67: {  	_ =	shalt  }
0x68: {  	_ =	shalt  }
0x69: {  	_ =	shalt  }
0x6a: {  	_ =	shalt  }
0x6b: {  	_ =	shalt  }
0x6c: {  	_ =	shalt  }
0x6d: {  	_ =	shalt  }
0x6e: {  	_ =	shalt  }
0x6f: {  	_ =	shalt  }
0x70: {  	_ =	shalt  }
0x71: {  	_ =	shalt  }
0x72: {  	_ =	shalt  }
0x73: {  	_ =	shalt  }
0x74: {  	_ =	shalt  }
0x75: {  	_ =	shalt  }
0x76: {  	_ =	shalt  }
0x77: {  	_ =	shalt  }
0x78: {  	_ =	shalt  }
0x79: {  	_ =	shalt  }
0x7a: {  	_ =	shalt  }
0x7b: {  	_ =	shalt  }
0x7c: {  	_ =	shalt  }
0x7d: {  	_ =	shalt  }
0x7e: {  	_ =	shalt  }
0x7f: {  	_ =	shalt  }
0x80: {  	_ =	shalt  }
0x81: {  	_ =	shalt  }
0x82: {  	_ =	shalt  }
0x83: {  	_ =	shalt  }
0x84: {  	_ =	shalt  }
0x85: {  	_ =	shalt  }
0x86: {  	_ =	shalt  }
0x87: {  	_ =	shalt  }
.Lfunc_end0:
.L_simem_size_0:
called_computation_lowered:
.L_overlay_start_0:
0x88: {  	s2 =	sld [smem:$0x3FD9]  }
0x89: {  	s3 =	sld [smem:$0x3FFE];
	_ =	sdelay $0x1  }
0x8a: {  	s1 =	srdreg.scid  }
0x8b: {  	s0 =	sand.u32 $0x1, s1  }
0x8c: {  	s18 =	sshll.u32 s0, $0xA;
	s2 =	sadd.s32 s3, s2  }
0x8d: {  	s2 =	sadd.s32 s2, s18  }
0x8e: {  	[smem:$0x3FC6] =	sst s2  }
0x8f: {  	_ = 	snop  }
0x90: {  	s2 =	sld [smem:$0x3FC9]  }
0x91: {  	s19 =	sld [smem:$0x3FC8]  }
0x92: {  	s4 =	sld [smem:$0x3FD0];
	(tm) =	ssettm $0x1  }
0x93: {  	s5 =	sld [smem:$0x3FFB];
	_ =	sdelay $0x3  }
0x94: {  	_ =	strace s5  }
0x95: {  	s5 =	sld [smem:$0x3FFC];
	_ =	sdelay $0x3  }
0x96: {  	_ =	strace s5  }
0x97: {  	s5 =	sld [smem:$0x3FFD];
	_ =	sdelay $0x3  }
0x98: {  	_ =	strace s5  }
0x99: {  	_ =	strace $0x8FFFFFFF  }
0x9a: {  	s20 =	sld [smem:$0x3FDB];
	_ =	sdelay $0x1  }
0x9b: {  	s6 =	simm.s32 $_scs_section_size  }
0x9c: {  	s7 =	simm.s32 $_size__tile_overlayer_lowered;
	s8 =	simm.s32 $_tile_overlayer_lowered  }
0x9d: {  	s23 =	simm.s32 $0x1BFF;
	s22 =	sshll.u32 s8, $0x1;
	s5 =	sadd.s32 s6, s20  }
0x9e: {  	s9 =	simm.s32 $0x0;
	s21 =	sshll.u32 s7, $0x1;
	s7 =	sadd.s32 s22, s5  }
0x9f: {  	[timem:s9], [sflag:s23] =	dma.local [hbm:s7], s21  }
0xa0: {  	_ =	swait.ge [sflag:s23], s21  }
0xa1: {  	s6 =	ssub.s32 $0x0, s21;
	[sflag:s23] =	ssyncset.done $0x0  }
0xa2: {  	[sflag:s23] =	ssyncadd.s32 s6;
	_ =	sdelay $0x1  }
0xa3: {  	s24 =	simm.s32 $0x1B8B  }
0xa4: {  	_ =	swait.ge [sflag:s24], $0x1  }
0xa5: {  	[sflag:s24] =	ssyncset.done $0x0  }
0xa6: {  	s25 =	simm.s32 $0x1B8E;
	[sflag:s24] =	ssyncadd.s32 $0xFFFFFFFF  }
0xa7: {  	s26 =	simm.s32 $execute0_lowered;
	[smem:$0x3FD2] =	sst s25  }
0xa8: {  	s6 =	sshll.u32 s26, $0x1;
	_ =	strace $0x80000046;
	[dreg:$0x1] =	wrdreg $0xFFFFFFFF  }
0xa9: {  	s28 =	simm.s32 $_size_execute0_lowered;
	s5 =	sadd.s32 s5, s6;
	[dreg:$0x0] =	wrdreg $0x0  }
0xaa: {  	s6 =	sshll.u32 s28, $0x1;
	[dreg:$0x2] =	wrdreg s5  }
0xab: {  	[dreg:$0x3] =	wrdreg s6  }
0xac: {  	[dreg:$0x4] =	wrdreg $0xC0  }
0xad: {  	_ =	task [dreg:s9], $0x5FFFF  }
0xae: {  	[dreg:$0x1] =	wrdreg $0xFFFFFFFF  }
0xaf: {  	[dreg:$0x0] =	wrdreg $0x60  }
0xb0: {  	[dreg:$0x2] =	wrdreg s2  }
0xb1: {  	[dreg:$0x3] =	wrdreg s19  }
0xb2: {  	[dreg:$0x4] =	wrdreg s4  }
0xb3: {  	[dreg:$0x5] =	wrdreg $0x9  }
0xb4: {  	_ =	task.clear_ibuf [dreg:s9], $0x6FFFF;
	_ =	strace $0x90000046  }
0xb5: {  	s29 =	simm.s32 $0x9;
	_ =	strace $0x80000048  }
0xb6: {  	_ =	swait.ge [sflag:s29], $0x1  }
0xb7: {  	[sflag:s29] =	ssyncadd.s32 $0xFFFFFFFF  }
0xb8: {  	_ =	strace $0x90000048  }
0xb9: {  	_ =	sfence  }
0xba: {  	s30 =	sld [smem:$0x0];
	_ =	sdelay $0x2  }
0xbb: {  	s31 =	sshll.u32 s1, $0xD;
	s1 =	sshrl.u32 s1, $0x2  }
0xbc: {  	s3 =	sand.u32 $0x4000, s31;
	s1 =	sadd.s32 s1, s30  }
0xbd: {  	s0 =	sor.u32 s3, s0;
	s1 =	sshll.u32 s1, $0x11  }
0xbe: {  	s0 =	sor.u32 s1, s0  }
0xbf: {  	s0 =	sadd.s32 $0x8F2B, s0  }
0xc0: {  	[sflag:s0] =	ssyncadd.remote.s32 $0x1  }
0xc1: {  	_ =	sfence.sel $0xFFFF  }
0xc2: {  	[dreg:$0x0] =	wrdreg $0xFFFFFFFF;
	(pc) =	sbr.abs _section_cstart, $3  }
0xc3: {  	[dreg:$0x1] =	wrdreg $0xFFFFFFFF  }
0xc4: {  	_ =	task.clear_ibuf [dreg:s9], $0x2FFFF;
	_ =	strace $0x9FFFFFFF  }
0xc5: {  	(tm) =	ssettm $0x7FFFFFFF  }
tec
execute0_lowered:
.L_overlay_start_1:
0x0: {  	(tag) =	ssettag $0x1  }
0x1: {  	s0 =	rddreg [dreg:$0x0]  }
0x2: {  	s2 =	rddreg [dreg:$0x1]  }
0x3: {  	s1 =	rddreg [dreg:$0x2]  }
0x4: {  	s4 =	srdreg.scid;
	s5 =	stileid.u32  }
0x5: {  	s3 =	simm.s32 $0x0;
	s10 =	simm.s32 $0x3;
	s11 =	simm.s32 $0x80  }
0x6: {  	s12 =	simm.s32 $0x200;
	s13 =	simm.s32 $0x4200;
	s14 =	simm.s32 $0x1  }
0x7: {  	s15 =	simm.s32 $0x400;
	s16 =	simm.s32 $0x20000;
	s20 =	simm.s32 $0x2  }
0x8: {  	v0 =	vlaneseq.u32;
	s4 =	sand.u32 $0x1, s4;
	s5 =	sshll.u32 s5, $0x1;
	[smem:$0x7FF] =	sst s3  }
0x9: {  	s21 =	simm.s32 $0x0;
	v0 =	vmul.u32 $0x80, v0;
	s5 =	sor.u32 s4, s5;
	_ =	strace $0x80000047  }
0xa: {  	s6 =	ssub.s32 $0x2, s4;
	s30 =	sshll.u32 s5, $0x9;
	s5 =	sshll.u32 s5, $0x6  }
0xb: {  	s7 =	sshrl.u32 s6, $0x1;
	v1 =	vor.u32 $0x800, v0;
	s4 =	sadd.s32 s1, s30;
	s0 =	sadd.s32 s0, s5  }
0xc: {  	v2 =	vor.u32 $0x1000, v0;
	v3 =	vor.u32 $0x1800, v0;
	v4 =	vor.u32 $0x2000, v0;
	s31 =	ssub.s32 s6, s7;
	[dreg:$0x4] =	wrdreg s0;
	s6 =	sadd.s32 $0x80, s4  }
0xd: {  	v5 =	vor.u32 $0x2800, v0;
	v6 =	vor.u32 $0x3000, v0;
	v7 =	vor.u32 $0x3800, v0;
	s7 =	sadd.s32 $0x100, s4;
	s8 =	sadd.s32 $0x180, s4;
	s9 =	smax.u32 s31, $0x1  }
.LBB2_1:
0xe: {  	s0 =	rddreg [dreg:$0x4]  }
0xf: {  	[tilespmem:s3], [sflag:$0x3] =	stream.linear.gather [hbm4b:s0+s3], $0x200, $0x38;
	[tilespmem:$0x10200] =	vst v63  }
0x10: {  	v8 =	vmov s3;
	s17 =	simm.s32 $0x1;
	_ =	swait.ge [sflag:s10], $0x200  }
0x11: {  	v8 =	vand.u32 $0x7C, v8;
	v9 =	vmov s17;
	[sflag:s10] =	ssyncset.done $0x0  }
0x12: {  	v15 =	vbroadcast v8, $0x0;
	v8 =	vand.u32 $0x7D, v9;
	[sflag:s10] =	ssyncadd.s32 $0xFFFFFE00  }
0x13: {  	v17 =	vbroadcast v8, $0x0;
	[tilespmem:s12], [sflag:$0x1] =	stream.indirect.gather [hbm4b:s2+s11], $0x80, s3, s11, $0xb8;
	[tilespmem:$0x10200] =	vst v63  }
0x14: {  	v8 =	vor.u32 v0, v15  }
0x15: {  	v9 =	vor.u32 v0, v17;
	[tilespmem:s13], [sflag:$0x1] =	stream.indirect.gather [hbm4b:s2+s11], $0x80, s11, s11, $0xb8;
	[tilespmem:$0x10200] =	vst v63  }
0x16: {  	_ =	swait.ge [sflag:s14], $0x4000  }
0x17: {  	[sflag:s14] =	ssyncset.done $0x0  }
0x18: {  	[sflag:s14] =	ssyncadd.s32 $0xFFFFC000  }
0x19: {  	v8 =	vld.idx.msk [tilespmem:v8+s12+$0x0], $0xffff  }
0x1a: {  	s18 =	simm.s32 $0x2;
	v10 =	vor.u32 v1, v15;
	v9 =	vld.idx.msk [tilespmem:v9+s12+$0x0], $0xffff  }
0x1b: {  	s19 =	simm.s32 $0x0;
	v11 =	vmov s18;
	v12 =	vor.u32 v1, v17  }
0x1c: {  	s1 =	simm.s32 $0x80;
	s0 =	sand.u32 $0x3C00, s19;
	v11 =	vand.u32 $0x7E, v11  }
0x1d: {  	s23 =	simm.s32 $0x8240;
	s1 =	sand.u32 $0x280, s1;
	s17 =	sor.u32 $0x8200, s0;
	v16 =	vbroadcast v11, $0x0  }
0x1e: {  	s22 =	simm.s32 $0x3;
	s0 =	sadd.s32 s1, s17;
	[tilespmem:s23+$0xFFFFFFC0] =	vst v8  }
0x1f: {  	v8 =	vor.u32 v0, v16;
	[tilespmem:s0+$0x0] =	vst v9;
	v9 =	vld.idx.msk [tilespmem:v10+s12+$0x0], $0xffff;
	v10 =	vmov s22  }
0x20: {  	v11 =	vld.idx.msk [tilespmem:v12+s12+$0x0], $0xffff;
	v12 =	vor.u32 v2, v15;
	v10 =	vand.u32 $0x7F, v10  }
0x21: {  	v13 =	vor.u32 v2, v17;
	v18 =	vbroadcast v10, $0x0;
	_ =	sdelay $0x1  }
0x22: {  	s24 =	simm.s32 $0x4;
	v14 =	vor.u32 v0, v18  }
0x23: {  	v19 =	vld.idx.msk [tilespmem:v8+s12+$0x0], $0xffff;
	v8 =	vmov s24;
	[tilespmem:s23+$0xFFFFFFD0] =	vst v9  }
0x24: {  	s25 =	simm.s32 $0x5;
	v20 =	vor.u32 v1, v16;
	[tilespmem:s0+$0x10] =	vst v11;
	v8 =	vand.u32 $0x7C, v8;
	v11 =	vld.idx.msk [tilespmem:v12+s12+$0x0], $0xffff  }
0x25: {  	s26 =	simm.s32 $0x6;
	s18 =	simm.s32 $0x100;
	v9 =	vmov s25;
	v12 =	vld.idx.msk [tilespmem:v13+s12+$0x0], $0xffff;
	v8 =	vbroadcast v8, $0x0;
	v13 =	vor.u32 v3, v15  }
0x26: {  	v22 =	vmov s26;
	s18 =	sand.u32 $0x300, s18;
	v21 =	vor.u32 v3, v17;
	v9 =	vand.u32 $0x7D, v9  }
0x27: {  	s28 =	sadd.s32 s18, s17;
	v10 =	vbroadcast v9, $0x0;
	v9 =	vand.u32 $0x7E, v22;
	v22 =	vor.u32 v0, v8;
	v14 =	vld.idx.msk [tilespmem:v14+s12+$0x0], $0xffff  }
0x28: {  	v9 =	vbroadcast v9, $0x0;
	[tilespmem:s28+$0x0] =	vst v19;
	v19 =	vor.u32 v1, v18  }
0x29: {  	s5 =	simm.s32 $0x180;
	v23 =	vor.u32 v0, v10;
	v20 =	vld.idx.msk [tilespmem:v20+s12+$0x0], $0xffff;
	[tilespmem:s23+$0xFFFFFFE0] =	vst v11  }
0x2a: {  	s1 =	sand.u32 $0x380, s5;
	[tilespmem:s0+$0x20] =	vst v12;
	v11 =	vor.u32 v0, v9;
	v12 =	vld.idx.msk [tilespmem:v13+s12+$0x0], $0xffff  }
0x2b: {  	s26 =	sadd.s32 s1, s17;
	v13 =	vld.idx.msk [tilespmem:v21+s12+$0x0], $0xffff;
	v21 =	vor.u32 v4, v15  }
0x2c: {  	v24 =	vor.u32 v4, v17;
	v22 =	vld.idx.msk [tilespmem:v22+s12+$0x0], $0xffff;
	[tilespmem:s26+$0x0] =	vst v14  }
0x2d: {  	v14 =	vor.u32 v2, v16;
	v19 =	vld.idx.msk [tilespmem:v19+s12+$0x0], $0xffff  }
0x2e: {  	v25 =	vor.u32 v2, v18;
	v23 =	vld.idx.msk [tilespmem:v23+s12+$0x0], $0xffff;
	[tilespmem:s28+$0x10] =	vst v20  }
0x2f: {  	s17 =	simm.s32 $0x200;
	v26 =	vor.u32 v1, v8;
	v11 =	vld.idx.msk [tilespmem:v11+s12+$0x0], $0xffff;
	[tilespmem:s23+$0xFFFFFFF0] =	vst v12  }
0x30: {  	s18 =	simm.s32 $0x280;
	s1 =	sand.u32 $0x3C00, s17;
	s22 =	simm.s32 $0x8440;
	v12 =	vor.u32 v1, v10;
	[tilespmem:s0+$0x30] =	vst v13;
	v13 =	vld.idx.msk [tilespmem:v21+s12+$0x0], $0xffff  }
0x31: {  	s19 =	simm.s32 $0x300;
	s17 =	sand.u32 $0x280, s18;
	s1 =	sor.u32 $0x8200, s1;
	v20 =	vld.idx.msk [tilespmem:v24+s12+$0x0], $0xffff;
	v24 =	vor.u32 v1, v9;
	[tilespmem:s22+$0xFFFFFFC0] =	vst v22  }
0x32: {  	s24 =	sand.u32 $0x300, s19;
	s25 =	sadd.s32 s17, s1;
	v21 =	vor.u32 v5, v15;
	v14 =	vld.idx.msk [tilespmem:v14+s12+$0x0], $0xffff;
	[tilespmem:s26+$0x10] =	vst v19  }
0x33: {  	s24 =	sadd.s32 s24, s1;
	[tilespmem:s25+$0x0] =	vst v23;
	v19 =	vor.u32 v3, v16;
	v22 =	vld.idx.msk [tilespmem:v25+s12+$0x0], $0xffff  }
0x34: {  	v23 =	vld.idx.msk [tilespmem:v26+s12+$0x0], $0xffff;
	v25 =	vor.u32 v3, v18;
	[tilespmem:s24+$0x0] =	vst v11  }
0x35: {  	s5 =	simm.s32 $0x7;
	v12 =	vld.idx.msk [tilespmem:v12+s12+$0x0], $0xffff;
	[tilespmem:s23+$0x0] =	vst v13;
	v13 =	vor.u32 v5, v17  }
0x36: {  	v27 =	vor.u32 v2, v10;
	v26 =	vmov s5;
	v24 =	vld.idx.msk [tilespmem:v24+s12+$0x0], $0xffff  }
0x37: {  	v11 =	vand.u32 $0x7F, v26;
	v21 =	vld.idx.msk [tilespmem:v21+s12+$0x0], $0xffff;
	[tilespmem:s28+$0x20] =	vst v14;
	v14 =	vor.u32 v2, v8  }
0x38: {  	v11 =	vbroadcast v11, $0x0;
	v19 =	vld.idx.msk [tilespmem:v19+s12+$0x0], $0xffff;
	[tilespmem:s26+$0x20] =	vst v22;
	v22 =	vor.u32 v6, v15  }
0x39: {  	v28 =	vor.u32 v4, v16;
	[tilespmem:s0+$0x40] =	vst v20;
	v20 =	vld.idx.msk [tilespmem:v25+s12+$0x0], $0xffff  }
0x3a: {  	s18 =	simm.s32 $0x8;
	v25 =	vor.u32 v0, v11;
	[tilespmem:s25+$0x10] =	vst v12;
	v26 =	vld.idx.msk [tilespmem:v13+s12+$0x0], $0xffff  }
0x3b: {  	v29 =	vor.u32 v4, v18;
	s19 =	simm.s32 $0x9;
	[tilespmem:s22+$0xFFFFFFD0] =	vst v23;
	v12 =	vmov s18;
	v23 =	vld.idx.msk [tilespmem:v27+s12+$0x0], $0xffff  }
0x3c: {  	v12 =	vand.u32 $0x7C, v12;
	v13 =	vmov s19;
	v27 =	vor.u32 v3, v10;
	[tilespmem:s23+$0x10] =	vst v21;
	v21 =	vld.idx.msk [tilespmem:v14+s12+$0x0], $0xffff  }
0x3d: {  	v30 =	vor.u32 v6, v17;
	s5 =	simm.s32 $0xA;
	v12 =	vbroadcast v12, $0x0;
	v13 =	vand.u32 $0x7D, v13;
	[tilespmem:s28+$0x30] =	vst v19;
	v22 =	vld.idx.msk [tilespmem:v22+s12+$0x0], $0xffff  }
0x3e: {  	v14 =	vmov s5;
	v13 =	vbroadcast v13, $0x0;
	v19 =	vor.u32 v3, v8;
	v28 =	vld.idx.msk [tilespmem:v28+s12+$0x0], $0xffff  }
0x3f: {  	v14 =	vand.u32 $0x7E, v14;
	v25 =	vld.idx.msk [tilespmem:v25+s12+$0x0], $0xffff;
	[tilespmem:s26+$0x30] =	vst v20;
	v20 =	vor.u32 v0, v12  }
0x40: {  	v14 =	vbroadcast v14, $0x0;
	v31 =	vor.u32 v0, v13;
	[tilespmem:s25+$0x20] =	vst v23;
	v23 =	vld.idx.msk [tilespmem:v29+s12+$0x0], $0xffff  }
0x41: {  	v29 =	vor.u32 v1, v11;
	[tilespmem:s0+$0x50] =	vst v26;
	v27 =	vld.idx.msk [tilespmem:v27+s12+$0x0], $0xffff  }
0x42: {  	s18 =	simm.s32 $0x380;
	v26 =	vor.u32 v0, v14;
	[tilespmem:s22+$0xFFFFFFE0] =	vst v21;
	v21 =	vld.idx.msk [tilespmem:v30+s12+$0x0], $0xffff  }
0x43: {  	s17 =	sand.u32 $0x380, s18;
	[tilespmem:s24+$0x10] =	vst v24;
	v24 =	vor.u32 v4, v10;
	v19 =	vld.idx.msk [tilespmem:v19+s12+$0x0], $0xffff  }
0x44: {  	v17 =	vor.u32 v7, v17;
	s29 =	sadd.s32 s17, s1;
	[tilespmem:s28+$0x40] =	vst v28;
	v20 =	vld.idx.msk [tilespmem:v20+s12+$0x0], $0xffff  }
0x45: {  	v28 =	vor.u32 v5, v16;
	[tilespmem:s29+$0x0] =	vst v25;
	v25 =	vld.idx.msk [tilespmem:v31+s12+$0x0], $0xffff  }
0x46: {  	v30 =	vor.u32 v5, v18;
	v29 =	vld.idx.msk [tilespmem:v29+s12+$0x0], $0xffff;
	[tilespmem:s26+$0x40] =	vst v23  }
0x47: {  	v23 =	vld.idx.msk [tilespmem:v26+s12+$0x0], $0xffff;
	v26 =	vor.u32 v4, v8;
	[tilespmem:s25+$0x30] =	vst v27  }
0x48: {  	s19 =	simm.s32 $0x400;
	v27 =	vor.u32 v1, v12;
	[tilespmem:s0+$0x60] =	vst v21;
	v24 =	vld.idx.msk [tilespmem:v24+s12+$0x0], $0xffff  }
0x49: {  	s30 =	simm.s32 $0x8640;
	s1 =	sand.u32 $0x3C00, s19;
	s5 =	simm.s32 $0x480;
	v21 =	vor.u32 v2, v9;
	[tilespmem:s22+$0xFFFFFFF0] =	vst v19;
	v17 =	vld.idx.msk [tilespmem:v17+s12+$0x0], $0xffff  }
0x4a: {  	s17 =	sand.u32 $0x280, s5;
	s1 =	sor.u32 $0x8200, s1;
	v19 =	vor.u32 v1, v13;
	[tilespmem:s30+$0xFFFFFFC0] =	vst v20;
	v20 =	vld.idx.msk [tilespmem:v28+s12+$0x0], $0xffff  }
0x4b: {  	v15 =	vor.u32 v7, v15;
	s31 =	sadd.s32 s17, s1;
	[tilespmem:s23+$0x20] =	vst v22;
	v28 =	vld.idx.msk [tilespmem:v30+s12+$0x0], $0xffff  }
0x4c: {  	[tilespmem:s31+$0x0] =	vst v25;
	v25 =	vor.u32 v2, v11;
	v26 =	vld.idx.msk [tilespmem:v26+s12+$0x0], $0xffff  }
0x4d: {  	v22 =	vor.u32 v6, v16;
	[tilespmem:s29+$0x10] =	vst v29;
	v30 =	vld.idx.msk [tilespmem:v27+s12+$0x0], $0xffff  }
0x4e: {  	v27 =	vor.u32 v5, v8;
	v21 =	vld.idx.msk [tilespmem:v21+s12+$0x0], $0xffff;
	[tilespmem:s25+$0x40] =	vst v24  }
0x4f: {  	v32 =	vor.u32 v5, v10;
	v29 =	vld.idx.msk [tilespmem:v19+s12+$0x0], $0xffff;
	[tilespmem:s0+$0x70] =	vst v17  }
0x50: {  	s18 =	simm.s32 $0x500;
	v24 =	vor.u32 v1, v14;
	v19 =	vld.idx.msk [tilespmem:v15+s12+$0x0], $0xffff;
	[tilespmem:s28+$0x50] =	vst v20  }
0x51: {  	v17 =	vor.u32 v3, v9;
	s0 =	sand.u32 $0x300, s18;
	v25 =	vld.idx.msk [tilespmem:v25+s12+$0x0], $0xffff;
	[tilespmem:s26+$0x50] =	vst v28  }
0x52: {  	s0 =	sadd.s32 s0, s1;
	v20 =	vor.u32 v6, v18;
	v22 =	vld.idx.msk [tilespmem:v22+s12+$0x0], $0xffff;
	[tilespmem:s22+$0x0] =	vst v26  }
0x53: {  	s19 =	simm.s32 $0xB;
	[tilespmem:s0+$0x0] =	vst v23;
	v26 =	vor.u32 v3, v11;
	v23 =	vld.idx.msk [tilespmem:v27+s12+$0x0], $0xffff  }
0x54: {  	v15 =	vmov s19;
	v28 =	vor.u32 v7, v16;
	[tilespmem:s24+$0x20] =	vst v21;
	v21 =	vld.idx.msk [tilespmem:v32+s12+$0x0], $0xffff  }
0x55: {  	v33 =	vor.u32 v2, v13;
	v15 =	vand.u32 $0x7F, v15;
	[tilespmem:s30+$0xFFFFFFD0] =	vst v30;
	v31 =	vld.idx.msk [tilespmem:v24+s12+$0x0], $0xffff  }
0x56: {  	v15 =	vbroadcast v15, $0x0;
	[tilespmem:s31+$0x10] =	vst v29;
	v27 =	vld.idx.msk [tilespmem:v17+s12+$0x0], $0xffff  }
0x57: {  	v16 =	vor.u32 v4, v11;
	v29 =	vor.u32 v2, v12;
	[tilespmem:s29+$0x20] =	vst v25;
	v25 =	vld.idx.msk [tilespmem:v20+s12+$0x0], $0xffff  }
0x58: {  	v30 =	vor.u32 v0, v15;
	v20 =	vor.u32 v6, v8;
	v26 =	vld.idx.msk [tilespmem:v26+s12+$0x0], $0xffff;
	[tilespmem:s28+$0x60] =	vst v22  }
0x59: {  	v17 =	vor.u32 v2, v14;
	v22 =	vor.u32 v7, v18;
	v24 =	vld.idx.msk [tilespmem:v28+s12+$0x0], $0xffff;
	[tilespmem:s22+$0x10] =	vst v23  }
0x5a: {  	s17 =	simm.s32 $0xC;
	s18 =	simm.s32 $0x580;
	v18 =	vor.u32 v4, v15;
	v23 =	vld.idx.msk [tilespmem:v33+s12+$0x0], $0xffff;
	v28 =	vor.u32 v4, v9;
	[tilespmem:s0+$0x10] =	vst v31  }
.LBB2_2:
0x5b: {  	s5 =	sadd.s32 $0x1, s17  }
0x5c: {  	v31 =	vmov s17;
	p0 =	slt.u32 s17, $0x7C;
	v29 =	vld.idx.msk [tilespmem:v29+s12+$0x0], $0xffff;
	v32 =	vor.u32 v6, v10;
	[tilespmem:s24+$0x30] =	vst v27;
	s19 =	smov.u32 s17;
	s17 =	sadd.s32 $0x4, s17  }
0x5d: {  	v33 =	vor.u32 v3, v13;
	v27 =	vand.u32 $0x7C, v31;
	v31 =	vmov s5;
	s5 =	sadd.s32 $0x2, s19;
	v20 =	vld.idx.msk [tilespmem:v20+s12+$0x0], $0xffff;
	[tilespmem:s26+$0x60] =	vst v25  }
0x5e: {  	v25 =	vbroadcast v27, $0x0;
	v27 =	vand.u32 $0x7D, v31;
	v31 =	vmov s5;
	[tilespmem:s29+$0x30] =	vst v26;
	v22 =	vld.idx.msk [tilespmem:v22+s12+$0x0], $0xffff  }
0x5f: {  	v26 =	vbroadcast v27, $0x0;
	v27 =	vand.u32 $0x7E, v31;
	v31 =	vor.u32 v3, v12;
	v30 =	vld.idx.msk [tilespmem:v30+s12+$0x0], $0xffff;
	[tilespmem:s28+$0x70] =	vst v24;
	s28 =	smov.u32 s24;
	s24 =	smov.u32 s0  }
0x60: {  	v24 =	vor.u32 v0, v25;
	v27 =	vbroadcast v27, $0x0;
	v28 =	vld.idx.msk [tilespmem:v28+s12+$0x0], $0xffff;
	[tilespmem:s23+$0x30] =	vst v19;
	s23 =	smov.u32 s22;
	s22 =	smov.u32 s30  }
0x61: {  	v19 =	vor.u32 v0, v26;
	[tilespmem:s31+$0x20] =	vst v23;
	v23 =	vld.idx.msk [tilespmem:v16+s12+$0x0], $0xffff;
	v16 =	vmov v18  }
0x62: {  	v34 =	vor.u32 v1, v15;
	v18 =	vor.u32 v0, v27;
	v33 =	vld.idx.msk [tilespmem:v33+s12+$0x0], $0xffff;
	[tilespmem:s25+$0x50] =	vst v21  }
0x63: {  	s0 =	sand.u32 $0x380, s18;
	[tilespmem:s30+$0xFFFFFFE0] =	vst v29;
	v21 =	vld.idx.msk [tilespmem:v32+s12+$0x0], $0xffff  }
0x64: {  	v29 =	vld.idx.msk [tilespmem:v31+s12+$0x0], $0xffff;
	v31 =	vor.u32 v4, v13;
	[tilespmem:s26+$0x70] =	vst v22;
	s26 =	smov.u32 s29;
	s29 =	sadd.s32 s0, s1  }
0x65: {  	v22 =	vld.idx.msk [tilespmem:v24+s12+$0x0], $0xffff;
	[tilespmem:s29+$0x0] =	vst v30;
	v24 =	vor.u32 v7, v10;
	v10 =	vmov v13;
	v13 =	vmov v26  }
0x66: {  	v26 =	vor.u32 v5, v9;
	v19 =	vld.idx.msk [tilespmem:v19+s12+$0x0], $0xffff;
	[tilespmem:s28+$0x40] =	vst v28;
	v28 =	vor.u32 v5, v11  }
0x67: {  	s18 =	sadd.s32 $0x200, s18;
	v30 =	vor.u32 v1, v25;
	v32 =	vld.idx.msk [tilespmem:v34+s12+$0x0], $0xffff;
	[tilespmem:s26+$0x40] =	vst v23  }
0x68: {  	s0 =	sadd.s32 $0xFFFFFE80, s18;
	v23 =	vor.u32 v1, v13;
	v34 =	vor.u32 v4, v12;
	v18 =	vld.idx.msk [tilespmem:v18+s12+$0x0], $0xffff;
	[tilespmem:s31+$0x30] =	vst v33  }
0x69: {  	s30 =	sadd.s32 $0x200, s30;
	s1 =	sadd.s32 $0xFFFFFF00, s18;
	s0 =	sand.u32 $0x3C00, s0;
	v33 =	vor.u32 v1, v27;
	v31 =	vld.idx.msk [tilespmem:v31+s12+$0x0], $0xffff;
	[tilespmem:s25+$0x60] =	vst v21  }
0x6a: {  	s5 =	sand.u32 $0x280, s1;
	s1 =	sor.u32 $0x8200, s0;
	s0 =	sadd.s32 $0xFFFFFF80, s18;
	[tilespmem:s22+$0xFFFFFFF0] =	vst v29;
	v21 =	vld.idx.msk [tilespmem:v24+s12+$0x0], $0xffff  }
0x6b: {  	s5 =	sadd.s32 s5, s1;
	s0 =	sand.u32 $0x300, s0;
	[tilespmem:s30+$0xFFFFFFC0] =	vst v22;
	v22 =	vld.idx.msk [tilespmem:v26+s12+$0x0], $0xffff  }
0x6c: {  	s0 =	sadd.s32 s0, s1;
	[tilespmem:s5+$0x0] =	vst v19;
	v19 =	vor.u32 v2, v15;
	v24 =	vld.idx.msk [tilespmem:v28+s12+$0x0], $0xffff  }
0x6d: {  	v26 =	vld.idx.msk [tilespmem:v34+s12+$0x0], $0xffff;
	[tilespmem:s23+$0x20] =	vst v20;
	v20 =	vor.u32 v6, v9  }
0x6e: {  	v29 =	vor.u32 v7, v8;
	v8 =	vmov v12;
	v12 =	vmov v25;
	v28 =	vld.idx.msk [tilespmem:v30+s12+$0x0], $0xffff;
	[tilespmem:s29+$0x10] =	vst v32  }
0x6f: {  	v25 =	vor.u32 v5, v8;
	v32 =	vor.u32 v2, v13;
	[tilespmem:s31+$0x40] =	vst v31;
	v30 =	vld.idx.msk [tilespmem:v17+s12+$0x0], $0xffff  }
0x70: {  	v17 =	vor.u32 v2, v27;
	v23 =	vld.idx.msk [tilespmem:v23+s12+$0x0], $0xffff;
	[tilespmem:s25+$0x70] =	vst v21;
	s25 =	smov.u32 s31;
	s31 =	smov.u32 s5  }
0x71: {  	v34 =	vor.u32 v6, v11;
	v21 =	vor.u32 v3, v14;
	v31 =	vld.idx.msk [tilespmem:v19+s12+$0x0], $0xffff;
	[tilespmem:s28+$0x50] =	vst v22  }
0x72: {  	v35 =	vld.idx.msk [tilespmem:v20+s12+$0x0], $0xffff;
	[tilespmem:s26+$0x50] =	vst v24  }
0x73: {  	v24 =	vor.u32 v3, v15;
	[tilespmem:s22+$0x0] =	vst v26;
	v19 =	vld.idx.msk [tilespmem:v29+s12+$0x0], $0xffff  }
0x74: {  	[tilespmem:s0+$0x0] =	vst v18;
	v36 =	vld.idx.msk [tilespmem:v25+s12+$0x0], $0xffff;
	v18 =	vor.u32 v7, v9;
	v9 =	vmov v14;
	v14 =	vmov v27  }
0x75: {  	v37 =	vor.u32 v5, v10;
	s5 =	sadd.s32 $0x3, s19;
	v33 =	vld.idx.msk [tilespmem:v33+s12+$0x0], $0xffff;
	[tilespmem:s24+$0x20] =	vst v30  }
0x76: {  	v22 =	vor.u32 v7, v11;
	v11 =	vmov v15;
	v20 =	vmov s5;
	[tilespmem:s31+$0x10] =	vst v23;
	v27 =	vld.idx.msk [tilespmem:v21+s12+$0x0], $0xffff  }
.Ltmp0:
0x77: {  	v29 =	vor.u32 v2, v12;
	v15 =	vand.u32 $0x7F, v20;
	[tilespmem:s29+$0x20] =	vst v31;
	v25 =	vld.idx.msk [tilespmem:v34+s12+$0x0], $0xffff;
	(pc) =	sbr.rel @p0 .LBB2_2-.Ltmp0, $4  }
0x78: {  	v20 =	vor.u32 v6, v8;
	v15 =	vbroadcast v15, $0x0;
	v26 =	vld.idx.msk [tilespmem:v24+s12+$0x0], $0xffff;
	[tilespmem:s28+$0x60] =	vst v35  }
0x79: {  	[tilespmem:s30+$0xFFFFFFD0] =	vst v28;
	v24 =	vld.idx.msk [tilespmem:v18+s12+$0x0], $0xffff  }
0x7a: {  	v30 =	vor.u32 v0, v15;
	v18 =	vor.u32 v4, v15;
	[tilespmem:s22+$0x10] =	vst v36;
	v21 =	vld.idx.msk [tilespmem:v37+s12+$0x0], $0xffff  }
0x7b: {  	v28 =	vor.u32 v4, v9;
	v23 =	vld.idx.msk [tilespmem:v32+s12+$0x0], $0xffff;
	[tilespmem:s0+$0x10] =	vst v33  }
0x7c: {  	_ =	sdelay $0x3  }
0x7d: {  	v30 =	vld.idx.msk [tilespmem:v30+s12+$0x0], $0xffff  }
0x7e: {  	v31 =	vor.u32 v1, v15;
	_ =	sdelay $0x1  }
0x7f: {  	[tilespmem:s24+$0x30] =	vst v27;
	s5 =	sand.u32 $0x380, s18  }
0x80: {  	[tilespmem:s26+$0x60] =	vst v25;
	s1 =	sadd.s32 s5, s1  }
0x81: {  	[tilespmem:s1+$0x0] =	vst v30  }
0x82: {  	[tilespmem:s29+$0x30] =	vst v26;
	v25 =	vld.idx.msk [tilespmem:v31+s12+$0x0], $0xffff  }
0x83: {  	v26 =	vld.idx.msk [tilespmem:v29+s12+$0x0], $0xffff;
	[tilespmem:s28+$0x70] =	vst v24;
	v24 =	vor.u32 v2, v15  }
0x84: {  	[tilespmem:s23+$0x30] =	vst v19;
	v19 =	vor.u32 v6, v10;
	v22 =	vld.idx.msk [tilespmem:v22+s12+$0x0], $0xffff  }
0x85: {  	v17 =	vld.idx.msk [tilespmem:v17+s12+$0x0], $0xffff;
	[tilespmem:s31+$0x20] =	vst v23;
	v23 =	vor.u32 v3, v12  }
0x86: {  	v27 =	vor.u32 v3, v13;
	v28 =	vld.idx.msk [tilespmem:v28+s12+$0x0], $0xffff;
	[tilespmem:s25+$0x50] =	vst v21  }
0x87: {  	v16 =	vld.idx.msk [tilespmem:v16+s12+$0x0], $0xffff;
	v21 =	vor.u32 v3, v14;
	[tilespmem:s1+$0x10] =	vst v25  }
0x88: {  	[tilespmem:s30+$0xFFFFFFE0] =	vst v26;
	v24 =	vld.idx.msk [tilespmem:v24+s12+$0x0], $0xffff  }
0x89: {  	v19 =	vld.idx.msk [tilespmem:v19+s12+$0x0], $0xffff;
	[tilespmem:s26+$0x70] =	vst v22;
	v22 =	vor.u32 v3, v15  }
0x8a: {  	v10 =	vor.u32 v7, v10;
	[tilespmem:s0+$0x20] =	vst v17;
	v23 =	vld.idx.msk [tilespmem:v23+s12+$0x0], $0xffff  }
0x8b: {  	[tilespmem:s24+$0x40] =	vst v28;
	v25 =	vld.idx.msk [tilespmem:v27+s12+$0x0], $0xffff;
	v27 =	vor.u32 v5, v9  }
0x8c: {  	v26 =	vor.u32 v4, v13;
	[tilespmem:s29+$0x40] =	vst v16;
	v16 =	vld.idx.msk [tilespmem:v21+s12+$0x0], $0xffff  }
0x8d: {  	v17 =	vld.idx.msk [tilespmem:v20+s12+$0x0], $0xffff;
	v20 =	vor.u32 v4, v14;
	[tilespmem:s1+$0x20] =	vst v24  }
0x8e: {  	v21 =	vor.u32 v4, v12;
	[tilespmem:s25+$0x60] =	vst v19;
	v22 =	vld.idx.msk [tilespmem:v22+s12+$0x0], $0xffff  }
0x8f: {  	v10 =	vld.idx.msk [tilespmem:v10+s12+$0x0], $0xffff;
	[tilespmem:s30+$0xFFFFFFF0] =	vst v23  }
0x90: {  	v19 =	vor.u32 v5, v11;
	[tilespmem:s31+$0x30] =	vst v25;
	v23 =	vld.idx.msk [tilespmem:v27+s12+$0x0], $0xffff  }
0x91: {  	[tilespmem:s0+$0x30] =	vst v16;
	v25 =	vor.u32 v6, v9;
	v24 =	vld.idx.msk [tilespmem:v26+s12+$0x0], $0xffff  }
0x92: {  	[tilespmem:s22+$0x20] =	vst v17;
	v16 =	vor.u32 v5, v13;
	v17 =	vld.idx.msk [tilespmem:v20+s12+$0x0], $0xffff  }
0x93: {  	v20 =	vld.idx.msk [tilespmem:v21+s12+$0x0], $0xffff;
	v21 =	vor.u32 v5, v14;
	[tilespmem:s1+$0x30] =	vst v22  }
0x94: {  	[tilespmem:s25+$0x70] =	vst v10;
	v22 =	vor.u32 v5, v12;
	v18 =	vld.idx.msk [tilespmem:v18+s12+$0x0], $0xffff  }
0x95: {  	v19 =	vld.idx.msk [tilespmem:v19+s12+$0x0], $0xffff;
	[tilespmem:s24+$0x50] =	vst v23;
	v23 =	vor.u32 v5, v15  }
0x96: {  	v10 =	vor.u32 v6, v11;
	[tilespmem:s31+$0x40] =	vst v24;
	v24 =	vld.idx.msk [tilespmem:v25+s12+$0x0], $0xffff  }
0x97: {  	v9 =	vor.u32 v7, v9;
	[tilespmem:s0+$0x40] =	vst v17;
	v16 =	vld.idx.msk [tilespmem:v16+s12+$0x0], $0xffff  }
0x98: {  	v17 =	vor.u32 v6, v13;
	[tilespmem:s30+$0x0] =	vst v20;
	v20 =	vld.idx.msk [tilespmem:v21+s12+$0x0], $0xffff  }
0x99: {  	v21 =	vld.idx.msk [tilespmem:v22+s12+$0x0], $0xffff;
	[tilespmem:s1+$0x40] =	vst v18;
	v18 =	vor.u32 v6, v14  }
0x9a: {  	[tilespmem:s29+$0x50] =	vst v19;
	v19 =	vor.u32 v6, v12;
	v22 =	vld.idx.msk [tilespmem:v23+s12+$0x0], $0xffff  }
0x9b: {  	v10 =	vld.idx.msk [tilespmem:v10+s12+$0x0], $0xffff;
	[tilespmem:s24+$0x60] =	vst v24;
	v23 =	vor.u32 v6, v15  }
0x9c: {  	v8 =	vor.u32 v7, v8;
	v9 =	vld.idx.msk [tilespmem:v9+s12+$0x0], $0xffff;
	[tilespmem:s31+$0x50] =	vst v16  }
0x9d: {  	v11 =	vor.u32 v7, v11;
	[tilespmem:s0+$0x50] =	vst v20;
	v16 =	vld.idx.msk [tilespmem:v17+s12+$0x0], $0xffff  }
0x9e: {  	v13 =	vor.u32 v7, v13;
	[tilespmem:s30+$0x10] =	vst v21;
	v17 =	vld.idx.msk [tilespmem:v18+s12+$0x0], $0xffff  }
0x9f: {  	v14 =	vor.u32 v7, v14;
	v18 =	vld.idx.msk [tilespmem:v19+s12+$0x0], $0xffff;
	[tilespmem:s1+$0x50] =	vst v22  }
0xa0: {  	[tilespmem:s29+$0x60] =	vst v10;
	v10 =	vor.u32 v7, v12;
	v12 =	vld.idx.msk [tilespmem:v23+s12+$0x0], $0xffff  }
0xa1: {  	v8 =	vld.idx.msk [tilespmem:v8+s12+$0x0], $0xffff;
	[tilespmem:s24+$0x70] =	vst v9;
	v9 =	vor.u32 v7, v15  }
0xa2: {  	v11 =	vld.idx.msk [tilespmem:v11+s12+$0x0], $0xffff;
	[tilespmem:s31+$0x60] =	vst v16  }
0xa3: {  	v13 =	vld.idx.msk [tilespmem:v13+s12+$0x0], $0xffff;
	[tilespmem:s0+$0x60] =	vst v17  }
0xa4: {  	[tilespmem:s30+$0x20] =	vst v18;
	v14 =	vld.idx.msk [tilespmem:v14+s12+$0x0], $0xffff  }
0xa5: {  	v10 =	vld.idx.msk [tilespmem:v10+s12+$0x0], $0xffff;
	[tilespmem:s1+$0x60] =	vst v12  }
0xa6: {  	[tilespmem:s22+$0x30] =	vst v8;
	v8 =	vld.idx.msk [tilespmem:v9+s12+$0x0], $0xffff  }
0xa7: {  	[tilespmem:s29+$0x70] =	vst v11;
	s24 =	simm.s32 $0x0  }
0xa8: {  	s25 =	simm.s32 $0x1;
	[tilespmem:s31+$0x70] =	vst v13;
	v9 =	vmov s24  }
0xa9: {  	v11 =	vmov s25;
	v9 =	vand.u32 $0x7C, v9;
	[tilespmem:s0+$0x70] =	vst v14  }
0xaa: {  	v15 =	vbroadcast v9, $0x0;
	v9 =	vand.u32 $0x7D, v11;
	[tilespmem:s30+$0x30] =	vst v10  }
0xab: {  	s26 =	simm.s32 $0x8200;
	v17 =	vbroadcast v9, $0x0;
	[tilespmem:s1+$0x70] =	vst v8  }
0xac: {  	v8 =	vor.u32 v0, v15;
	[hbm4b:s4+s15] =	stream.strided.scatter [tilespmem:s26], [sflag:$0x2], $0x4000, s16, s15, $0x38;
	[tilespmem:$0x10200] =	vst v63  }
0xad: {  	v9 =	vor.u32 v0, v17;
	_ =	swait.ge [sflag:s14], $0x4000  }
0xae: {  	[sflag:s14] =	ssyncset.done $0x0  }
0xaf: {  	s1 =	simm.s32 $0x100;
	[sflag:s14] =	ssyncadd.s32 $0xFFFFC000  }
0xb0: {  	[tilespmem:s12], [sflag:$0x1] =	stream.indirect.gather [hbm4b:s2+s11], $0x80, s1, s11, $0xb8;
	[tilespmem:$0x10200] =	vst v63  }
0xb1: {  	v8 =	vld.idx.msk [tilespmem:v8+s13+$0x0], $0xffff  }
0xb2: {  	s5 =	simm.s32 $0x2;
	v10 =	vor.u32 v1, v15;
	v9 =	vld.idx.msk [tilespmem:v9+s13+$0x0], $0xffff  }
0xb3: {  	s17 =	simm.s32 $0x0;
	v11 =	vmov s5;
	v12 =	vor.u32 v1, v17  }
0xb4: {  	s18 =	simm.s32 $0x80;
	v11 =	vand.u32 $0x7E, v11;
	s0 =	sand.u32 $0x3C00, s17  }
0xb5: {  	s23 =	simm.s32 $0xC240;
	v16 =	vbroadcast v11, $0x0;
	s19 =	sor.u32 $0xC200, s0;
	s1 =	sand.u32 $0x280, s18  }
0xb6: {  	s22 =	simm.s32 $0x3;
	s0 =	sadd.s32 s1, s19;
	[tilespmem:s23+$0xFFFFFFC0] =	vst v8  }
0xb7: {  	v8 =	vor.u32 v0, v16;
	[tilespmem:s0+$0x0] =	vst v9;
	v9 =	vld.idx.msk [tilespmem:v10+s13+$0x0], $0xffff;
	v10 =	vmov s22  }
0xb8: {  	v11 =	vld.idx.msk [tilespmem:v12+s13+$0x0], $0xffff;
	v12 =	vor.u32 v2, v15;
	v10 =	vand.u32 $0x7F, v10  }
0xb9: {  	v13 =	vor.u32 v2, v17;
	v18 =	vbroadcast v10, $0x0;
	_ =	sdelay $0x1  }
0xba: {  	s24 =	simm.s32 $0x4;
	v14 =	vor.u32 v0, v18  }
0xbb: {  	v19 =	vld.idx.msk [tilespmem:v8+s13+$0x0], $0xffff;
	v8 =	vmov s24;
	[tilespmem:s23+$0xFFFFFFD0] =	vst v9  }
0xbc: {  	s25 =	simm.s32 $0x5;
	v20 =	vor.u32 v1, v16;
	[tilespmem:s0+$0x10] =	vst v11;
	v8 =	vand.u32 $0x7C, v8;
	v11 =	vld.idx.msk [tilespmem:v12+s13+$0x0], $0xffff  }
0xbd: {  	s17 =	simm.s32 $0x100;
	s26 =	simm.s32 $0x6;
	v9 =	vmov s25;
	v12 =	vld.idx.msk [tilespmem:v13+s13+$0x0], $0xffff;
	v8 =	vbroadcast v8, $0x0;
	v13 =	vor.u32 v3, v15  }
0xbe: {  	s17 =	sand.u32 $0x300, s17;
	v21 =	vor.u32 v3, v17;
	v22 =	vmov s26;
	v9 =	vand.u32 $0x7D, v9  }
0xbf: {  	s28 =	sadd.s32 s17, s19;
	v10 =	vbroadcast v9, $0x0;
	v9 =	vand.u32 $0x7E, v22;
	v22 =	vor.u32 v0, v8;
	v14 =	vld.idx.msk [tilespmem:v14+s13+$0x0], $0xffff  }
0xc0: {  	v9 =	vbroadcast v9, $0x0;
	[tilespmem:s28+$0x0] =	vst v19;
	v19 =	vor.u32 v1, v18  }
0xc1: {  	s17 =	simm.s32 $0x180;
	v23 =	vor.u32 v0, v10;
	v20 =	vld.idx.msk [tilespmem:v20+s13+$0x0], $0xffff;
	[tilespmem:s23+$0xFFFFFFE0] =	vst v11  }
0xc2: {  	s1 =	sand.u32 $0x380, s17;
	[tilespmem:s0+$0x20] =	vst v12;
	v11 =	vor.u32 v0, v9;
	v12 =	vld.idx.msk [tilespmem:v13+s13+$0x0], $0xffff  }
0xc3: {  	s26 =	sadd.s32 s1, s19;
	v13 =	vld.idx.msk [tilespmem:v21+s13+$0x0], $0xffff;
	v21 =	vor.u32 v4, v15  }
0xc4: {  	v24 =	vor.u32 v4, v17;
	v22 =	vld.idx.msk [tilespmem:v22+s13+$0x0], $0xffff;
	[tilespmem:s26+$0x0] =	vst v14  }
0xc5: {  	v14 =	vor.u32 v2, v16;
	v19 =	vld.idx.msk [tilespmem:v19+s13+$0x0], $0xffff  }
0xc6: {  	v25 =	vor.u32 v2, v18;
	v23 =	vld.idx.msk [tilespmem:v23+s13+$0x0], $0xffff;
	[tilespmem:s28+$0x10] =	vst v20  }
0xc7: {  	s18 =	simm.s32 $0x200;
	v26 =	vor.u32 v1, v8;
	v11 =	vld.idx.msk [tilespmem:v11+s13+$0x0], $0xffff;
	[tilespmem:s23+$0xFFFFFFF0] =	vst v12  }
0xc8: {  	s1 =	sand.u32 $0x3C00, s18;
	s19 =	simm.s32 $0x280;
	s22 =	simm.s32 $0xC440;
	v12 =	vor.u32 v1, v10;
	[tilespmem:s0+$0x30] =	vst v13;
	v13 =	vld.idx.msk [tilespmem:v21+s13+$0x0], $0xffff  }
0xc9: {  	s5 =	sand.u32 $0x280, s19;
	s1 =	sor.u32 $0xC200, s1;
	s24 =	simm.s32 $0x300;
	v20 =	vld.idx.msk [tilespmem:v24+s13+$0x0], $0xffff;
	v24 =	vor.u32 v1, v9;
	[tilespmem:s22+$0xFFFFFFC0] =	vst v22  }
0xca: {  	s25 =	sadd.s32 s5, s1;
	s17 =	sand.u32 $0x300, s24;
	v21 =	vor.u32 v5, v15;
	v14 =	vld.idx.msk [tilespmem:v14+s13+$0x0], $0xffff;
	[tilespmem:s26+$0x10] =	vst v19  }
0xcb: {  	s24 =	sadd.s32 s17, s1;
	[tilespmem:s25+$0x0] =	vst v23;
	v19 =	vor.u32 v3, v16;
	v22 =	vld.idx.msk [tilespmem:v25+s13+$0x0], $0xffff  }
0xcc: {  	v23 =	vld.idx.msk [tilespmem:v26+s13+$0x0], $0xffff;
	v25 =	vor.u32 v3, v18;
	[tilespmem:s24+$0x0] =	vst v11  }
0xcd: {  	s18 =	simm.s32 $0x7;
	v12 =	vld.idx.msk [tilespmem:v12+s13+$0x0], $0xffff;
	[tilespmem:s23+$0x0] =	vst v13;
	v13 =	vor.u32 v5, v17  }
0xce: {  	v27 =	vor.u32 v2, v10;
	v26 =	vmov s18;
	v24 =	vld.idx.msk [tilespmem:v24+s13+$0x0], $0xffff  }
0xcf: {  	v11 =	vand.u32 $0x7F, v26;
	v21 =	vld.idx.msk [tilespmem:v21+s13+$0x0], $0xffff;
	[tilespmem:s28+$0x20] =	vst v14;
	v14 =	vor.u32 v2, v8  }
0xd0: {  	v11 =	vbroadcast v11, $0x0;
	v19 =	vld.idx.msk [tilespmem:v19+s13+$0x0], $0xffff;
	[tilespmem:s26+$0x20] =	vst v22;
	v22 =	vor.u32 v6, v15  }
0xd1: {  	v28 =	vor.u32 v4, v16;
	[tilespmem:s0+$0x40] =	vst v20;
	v20 =	vld.idx.msk [tilespmem:v25+s13+$0x0], $0xffff  }
0xd2: {  	s19 =	simm.s32 $0x8;
	v25 =	vor.u32 v0, v11;
	[tilespmem:s25+$0x10] =	vst v12;
	v26 =	vld.idx.msk [tilespmem:v13+s13+$0x0], $0xffff  }
0xd3: {  	v29 =	vor.u32 v4, v18;
	s17 =	simm.s32 $0x9;
	[tilespmem:s22+$0xFFFFFFD0] =	vst v23;
	v12 =	vmov s19;
	v23 =	vld.idx.msk [tilespmem:v27+s13+$0x0], $0xffff  }
0xd4: {  	v12 =	vand.u32 $0x7C, v12;
	v13 =	vmov s17;
	v27 =	vor.u32 v3, v10;
	[tilespmem:s23+$0x10] =	vst v21;
	v21 =	vld.idx.msk [tilespmem:v14+s13+$0x0], $0xffff  }
0xd5: {  	v30 =	vor.u32 v6, v17;
	s18 =	simm.s32 $0xA;
	v12 =	vbroadcast v12, $0x0;
	v13 =	vand.u32 $0x7D, v13;
	[tilespmem:s28+$0x30] =	vst v19;
	v22 =	vld.idx.msk [tilespmem:v22+s13+$0x0], $0xffff  }
0xd6: {  	v14 =	vmov s18;
	v13 =	vbroadcast v13, $0x0;
	v19 =	vor.u32 v3, v8;
	v28 =	vld.idx.msk [tilespmem:v28+s13+$0x0], $0xffff  }
0xd7: {  	v14 =	vand.u32 $0x7E, v14;
	v25 =	vld.idx.msk [tilespmem:v25+s13+$0x0], $0xffff;
	[tilespmem:s26+$0x30] =	vst v20;
	v20 =	vor.u32 v0, v12  }
0xd8: {  	v14 =	vbroadcast v14, $0x0;
	v31 =	vor.u32 v0, v13;
	[tilespmem:s25+$0x20] =	vst v23;
	v23 =	vld.idx.msk [tilespmem:v29+s13+$0x0], $0xffff  }
0xd9: {  	v29 =	vor.u32 v1, v11;
	[tilespmem:s0+$0x50] =	vst v26;
	v27 =	vld.idx.msk [tilespmem:v27+s13+$0x0], $0xffff  }
0xda: {  	s19 =	simm.s32 $0x380;
	v26 =	vor.u32 v0, v14;
	[tilespmem:s22+$0xFFFFFFE0] =	vst v21;
	v21 =	vld.idx.msk [tilespmem:v30+s13+$0x0], $0xffff  }
0xdb: {  	s5 =	sand.u32 $0x380, s19;
	[tilespmem:s24+$0x10] =	vst v24;
	v24 =	vor.u32 v4, v10;
	v19 =	vld.idx.msk [tilespmem:v19+s13+$0x0], $0xffff  }
0xdc: {  	v17 =	vor.u32 v7, v17;
	s29 =	sadd.s32 s5, s1;
	[tilespmem:s28+$0x40] =	vst v28;
	v20 =	vld.idx.msk [tilespmem:v20+s13+$0x0], $0xffff  }
0xdd: {  	v28 =	vor.u32 v5, v16;
	[tilespmem:s29+$0x0] =	vst v25;
	v25 =	vld.idx.msk [tilespmem:v31+s13+$0x0], $0xffff  }
0xde: {  	v30 =	vor.u32 v5, v18;
	v29 =	vld.idx.msk [tilespmem:v29+s13+$0x0], $0xffff;
	[tilespmem:s26+$0x40] =	vst v23  }
0xdf: {  	v23 =	vld.idx.msk [tilespmem:v26+s13+$0x0], $0xffff;
	v26 =	vor.u32 v4, v8;
	[tilespmem:s25+$0x30] =	vst v27  }
0xe0: {  	s5 =	simm.s32 $0x400;
	v27 =	vor.u32 v1, v12;
	[tilespmem:s0+$0x60] =	vst v21;
	v24 =	vld.idx.msk [tilespmem:v24+s13+$0x0], $0xffff  }
0xe1: {  	s30 =	simm.s32 $0xC640;
	s17 =	simm.s32 $0x480;
	s1 =	sand.u32 $0x3C00, s5;
	v21 =	vor.u32 v2, v9;
	[tilespmem:s22+$0xFFFFFFF0] =	vst v19;
	v17 =	vld.idx.msk [tilespmem:v17+s13+$0x0], $0xffff  }
0xe2: {  	s5 =	sand.u32 $0x280, s17;
	s1 =	sor.u32 $0xC200, s1;
	v19 =	vor.u32 v1, v13;
	[tilespmem:s30+$0xFFFFFFC0] =	vst v20;
	v20 =	vld.idx.msk [tilespmem:v28+s13+$0x0], $0xffff  }
0xe3: {  	v15 =	vor.u32 v7, v15;
	s31 =	sadd.s32 s5, s1;
	[tilespmem:s23+$0x20] =	vst v22;
	v28 =	vld.idx.msk [tilespmem:v30+s13+$0x0], $0xffff  }
0xe4: {  	[tilespmem:s31+$0x0] =	vst v25;
	v25 =	vor.u32 v2, v11;
	v26 =	vld.idx.msk [tilespmem:v26+s13+$0x0], $0xffff  }
0xe5: {  	v22 =	vor.u32 v6, v16;
	[tilespmem:s29+$0x10] =	vst v29;
	v30 =	vld.idx.msk [tilespmem:v27+s13+$0x0], $0xffff  }
0xe6: {  	v27 =	vor.u32 v5, v8;
	v21 =	vld.idx.msk [tilespmem:v21+s13+$0x0], $0xffff;
	[tilespmem:s25+$0x40] =	vst v24  }
0xe7: {  	v32 =	vor.u32 v5, v10;
	v29 =	vld.idx.msk [tilespmem:v19+s13+$0x0], $0xffff;
	[tilespmem:s0+$0x70] =	vst v17  }
0xe8: {  	s18 =	simm.s32 $0x500;
	v24 =	vor.u32 v1, v14;
	v19 =	vld.idx.msk [tilespmem:v15+s13+$0x0], $0xffff;
	[tilespmem:s28+$0x50] =	vst v20  }
0xe9: {  	v17 =	vor.u32 v3, v9;
	s0 =	sand.u32 $0x300, s18;
	v25 =	vld.idx.msk [tilespmem:v25+s13+$0x0], $0xffff;
	[tilespmem:s26+$0x50] =	vst v28  }
0xea: {  	s0 =	sadd.s32 s0, s1;
	v20 =	vor.u32 v6, v18;
	v22 =	vld.idx.msk [tilespmem:v22+s13+$0x0], $0xffff;
	[tilespmem:s22+$0x0] =	vst v26  }
0xeb: {  	s19 =	simm.s32 $0xB;
	[tilespmem:s0+$0x0] =	vst v23;
	v26 =	vor.u32 v3, v11;
	v23 =	vld.idx.msk [tilespmem:v27+s13+$0x0], $0xffff  }
0xec: {  	v15 =	vmov s19;
	v28 =	vor.u32 v7, v16;
	[tilespmem:s24+$0x20] =	vst v21;
	v21 =	vld.idx.msk [tilespmem:v32+s13+$0x0], $0xffff  }
0xed: {  	v33 =	vor.u32 v2, v13;
	v15 =	vand.u32 $0x7F, v15;
	[tilespmem:s30+$0xFFFFFFD0] =	vst v30;
	v31 =	vld.idx.msk [tilespmem:v24+s13+$0x0], $0xffff  }
0xee: {  	v15 =	vbroadcast v15, $0x0;
	[tilespmem:s31+$0x10] =	vst v29;
	v27 =	vld.idx.msk [tilespmem:v17+s13+$0x0], $0xffff  }
0xef: {  	v16 =	vor.u32 v4, v11;
	v29 =	vor.u32 v2, v12;
	[tilespmem:s29+$0x20] =	vst v25;
	v25 =	vld.idx.msk [tilespmem:v20+s13+$0x0], $0xffff  }
0xf0: {  	v30 =	vor.u32 v0, v15;
	v20 =	vor.u32 v6, v8;
	v26 =	vld.idx.msk [tilespmem:v26+s13+$0x0], $0xffff;
	[tilespmem:s28+$0x60] =	vst v22  }
0xf1: {  	v17 =	vor.u32 v2, v14;
	v22 =	vor.u32 v7, v18;
	v24 =	vld.idx.msk [tilespmem:v28+s13+$0x0], $0xffff;
	[tilespmem:s22+$0x10] =	vst v23  }
0xf2: {  	s17 =	simm.s32 $0xC;
	s18 =	simm.s32 $0x580;
	v18 =	vor.u32 v4, v15;
	v23 =	vld.idx.msk [tilespmem:v33+s13+$0x0], $0xffff;
	v28 =	vor.u32 v4, v9;
	[tilespmem:s0+$0x10] =	vst v31  }
.LBB2_4:
0xf3: {  	s5 =	sadd.s32 $0x1, s17  }
0xf4: {  	v31 =	vmov s17;
	p0 =	slt.u32 s17, $0x7C;
	v29 =	vld.idx.msk [tilespmem:v29+s13+$0x0], $0xffff;
	v32 =	vor.u32 v6, v10;
	[tilespmem:s24+$0x30] =	vst v27;
	s19 =	smov.u32 s17;
	s17 =	sadd.s32 $0x4, s17  }
0xf5: {  	v33 =	vor.u32 v3, v13;
	v27 =	vand.u32 $0x7C, v31;
	v31 =	vmov s5;
	s5 =	sadd.s32 $0x2, s19;
	v20 =	vld.idx.msk [tilespmem:v20+s13+$0x0], $0xffff;
	[tilespmem:s26+$0x60] =	vst v25  }
0xf6: {  	v25 =	vbroadcast v27, $0x0;
	v27 =	vand.u32 $0x7D, v31;
	v31 =	vmov s5;
	[tilespmem:s29+$0x30] =	vst v26;
	v22 =	vld.idx.msk [tilespmem:v22+s13+$0x0], $0xffff  }
0xf7: {  	v26 =	vbroadcast v27, $0x0;
	v27 =	vand.u32 $0x7E, v31;
	v31 =	vor.u32 v3, v12;
	v30 =	vld.idx.msk [tilespmem:v30+s13+$0x0], $0xffff;
	[tilespmem:s28+$0x70] =	vst v24;
	s28 =	smov.u32 s24;
	s24 =	smov.u32 s0  }
0xf8: {  	v24 =	vor.u32 v0, v25;
	v27 =	vbroadcast v27, $0x0;
	v28 =	vld.idx.msk [tilespmem:v28+s13+$0x0], $0xffff;
	[tilespmem:s23+$0x30] =	vst v19;
	s23 =	smov.u32 s22;
	s22 =	smov.u32 s30  }
0xf9: {  	v19 =	vor.u32 v0, v26;
	[tilespmem:s31+$0x20] =	vst v23;
	v23 =	vld.idx.msk [tilespmem:v16+s13+$0x0], $0xffff;
	v16 =	vmov v18  }
0xfa: {  	v34 =	vor.u32 v1, v15;
	v18 =	vor.u32 v0, v27;
	v33 =	vld.idx.msk [tilespmem:v33+s13+$0x0], $0xffff;
	[tilespmem:s25+$0x50] =	vst v21  }
0xfb: {  	s0 =	sand.u32 $0x380, s18;
	[tilespmem:s30+$0xFFFFFFE0] =	vst v29;
	v21 =	vld.idx.msk [tilespmem:v32+s13+$0x0], $0xffff  }
0xfc: {  	v29 =	vld.idx.msk [tilespmem:v31+s13+$0x0], $0xffff;
	v31 =	vor.u32 v4, v13;
	[tilespmem:s26+$0x70] =	vst v22;
	s26 =	smov.u32 s29;
	s29 =	sadd.s32 s0, s1  }
0xfd: {  	v22 =	vld.idx.msk [tilespmem:v24+s13+$0x0], $0xffff;
	[tilespmem:s29+$0x0] =	vst v30;
	v24 =	vor.u32 v7, v10;
	v10 =	vmov v13;
	v13 =	vmov v26  }
0xfe: {  	v26 =	vor.u32 v5, v9;
	v19 =	vld.idx.msk [tilespmem:v19+s13+$0x0], $0xffff;
	[tilespmem:s28+$0x40] =	vst v28;
	v28 =	vor.u32 v5, v11  }
0xff: {  	s18 =	sadd.s32 $0x200, s18;
	v30 =	vor.u32 v1, v25;
	v32 =	vld.idx.msk [tilespmem:v34+s13+$0x0], $0xffff;
	[tilespmem:s26+$0x40] =	vst v23  }
0x100: {  	s0 =	sadd.s32 $0xFFFFFE80, s18;
	v23 =	vor.u32 v1, v13;
	v34 =	vor.u32 v4, v12;
	v18 =	vld.idx.msk [tilespmem:v18+s13+$0x0], $0xffff;
	[tilespmem:s31+$0x30] =	vst v33  }
0x101: {  	s30 =	sadd.s32 $0x200, s30;
	s1 =	sadd.s32 $0xFFFFFF00, s18;
	s0 =	sand.u32 $0x3C00, s0;
	v33 =	vor.u32 v1, v27;
	v31 =	vld.idx.msk [tilespmem:v31+s13+$0x0], $0xffff;
	[tilespmem:s25+$0x60] =	vst v21  }
0x102: {  	s5 =	sand.u32 $0x280, s1;
	s1 =	sor.u32 $0xC200, s0;
	s0 =	sadd.s32 $0xFFFFFF80, s18;
	[tilespmem:s22+$0xFFFFFFF0] =	vst v29;
	v21 =	vld.idx.msk [tilespmem:v24+s13+$0x0], $0xffff  }
0x103: {  	s5 =	sadd.s32 s5, s1;
	s0 =	sand.u32 $0x300, s0;
	[tilespmem:s30+$0xFFFFFFC0] =	vst v22;
	v22 =	vld.idx.msk [tilespmem:v26+s13+$0x0], $0xffff  }
0x104: {  	s0 =	sadd.s32 s0, s1;
	[tilespmem:s5+$0x0] =	vst v19;
	v19 =	vor.u32 v2, v15;
	v24 =	vld.idx.msk [tilespmem:v28+s13+$0x0], $0xffff  }
0x105: {  	v26 =	vld.idx.msk [tilespmem:v34+s13+$0x0], $0xffff;
	[tilespmem:s23+$0x20] =	vst v20;
	v20 =	vor.u32 v6, v9  }
0x106: {  	v29 =	vor.u32 v7, v8;
	v8 =	vmov v12;
	v12 =	vmov v25;
	v28 =	vld.idx.msk [tilespmem:v30+s13+$0x0], $0xffff;
	[tilespmem:s29+$0x10] =	vst v32  }
0x107: {  	v25 =	vor.u32 v5, v8;
	v32 =	vor.u32 v2, v13;
	[tilespmem:s31+$0x40] =	vst v31;
	v30 =	vld.idx.msk [tilespmem:v17+s13+$0x0], $0xffff  }
0x108: {  	v17 =	vor.u32 v2, v27;
	v23 =	vld.idx.msk [tilespmem:v23+s13+$0x0], $0xffff;
	[tilespmem:s25+$0x70] =	vst v21;
	s25 =	smov.u32 s31;
	s31 =	smov.u32 s5  }
0x109: {  	v34 =	vor.u32 v6, v11;
	v21 =	vor.u32 v3, v14;
	v31 =	vld.idx.msk [tilespmem:v19+s13+$0x0], $0xffff;
	[tilespmem:s28+$0x50] =	vst v22  }
0x10a: {  	v35 =	vld.idx.msk [tilespmem:v20+s13+$0x0], $0xffff;
	[tilespmem:s26+$0x50] =	vst v24  }
0x10b: {  	v24 =	vor.u32 v3, v15;
	[tilespmem:s22+$0x0] =	vst v26;
	v19 =	vld.idx.msk [tilespmem:v29+s13+$0x0], $0xffff  }
0x10c: {  	[tilespmem:s0+$0x0] =	vst v18;
	v36 =	vld.idx.msk [tilespmem:v25+s13+$0x0], $0xffff;
	v18 =	vor.u32 v7, v9;
	v9 =	vmov v14;
	v14 =	vmov v27  }
0x10d: {  	v37 =	vor.u32 v5, v10;
	s5 =	sadd.s32 $0x3, s19;
	v33 =	vld.idx.msk [tilespmem:v33+s13+$0x0], $0xffff;
	[tilespmem:s24+$0x20] =	vst v30  }
0x10e: {  	v22 =	vor.u32 v7, v11;
	v11 =	vmov v15;
	v20 =	vmov s5;
	[tilespmem:s31+$0x10] =	vst v23;
	v27 =	vld.idx.msk [tilespmem:v21+s13+$0x0], $0xffff  }
.Ltmp1:
0x10f: {  	v29 =	vor.u32 v2, v12;
	v15 =	vand.u32 $0x7F, v20;
	[tilespmem:s29+$0x20] =	vst v31;
	v25 =	vld.idx.msk [tilespmem:v34+s13+$0x0], $0xffff;
	(pc) =	sbr.rel @p0 .LBB2_4-.Ltmp1, $4  }
0x110: {  	v20 =	vor.u32 v6, v8;
	v15 =	vbroadcast v15, $0x0;
	v26 =	vld.idx.msk [tilespmem:v24+s13+$0x0], $0xffff;
	[tilespmem:s28+$0x60] =	vst v35  }
0x111: {  	[tilespmem:s30+$0xFFFFFFD0] =	vst v28;
	v24 =	vld.idx.msk [tilespmem:v18+s13+$0x0], $0xffff  }
0x112: {  	v30 =	vor.u32 v0, v15;
	v18 =	vor.u32 v4, v15;
	[tilespmem:s22+$0x10] =	vst v36;
	v21 =	vld.idx.msk [tilespmem:v37+s13+$0x0], $0xffff  }
0x113: {  	v28 =	vor.u32 v4, v9;
	v23 =	vld.idx.msk [tilespmem:v32+s13+$0x0], $0xffff;
	[tilespmem:s0+$0x10] =	vst v33  }
0x114: {  	_ =	sdelay $0x3  }
0x115: {  	v30 =	vld.idx.msk [tilespmem:v30+s13+$0x0], $0xffff  }
0x116: {  	v31 =	vor.u32 v1, v15;
	_ =	sdelay $0x1  }
0x117: {  	[tilespmem:s24+$0x30] =	vst v27;
	s5 =	sand.u32 $0x380, s18  }
0x118: {  	[tilespmem:s26+$0x60] =	vst v25;
	s1 =	sadd.s32 s5, s1  }
0x119: {  	[tilespmem:s1+$0x0] =	vst v30  }
0x11a: {  	[tilespmem:s29+$0x30] =	vst v26;
	v25 =	vld.idx.msk [tilespmem:v31+s13+$0x0], $0xffff  }
0x11b: {  	v26 =	vld.idx.msk [tilespmem:v29+s13+$0x0], $0xffff;
	[tilespmem:s28+$0x70] =	vst v24;
	v24 =	vor.u32 v2, v15  }
0x11c: {  	[tilespmem:s23+$0x30] =	vst v19;
	v19 =	vor.u32 v6, v10;
	v22 =	vld.idx.msk [tilespmem:v22+s13+$0x0], $0xffff  }
0x11d: {  	v17 =	vld.idx.msk [tilespmem:v17+s13+$0x0], $0xffff;
	[tilespmem:s31+$0x20] =	vst v23;
	v23 =	vor.u32 v3, v12  }
0x11e: {  	v27 =	vor.u32 v3, v13;
	v28 =	vld.idx.msk [tilespmem:v28+s13+$0x0], $0xffff;
	[tilespmem:s25+$0x50] =	vst v21  }
0x11f: {  	v16 =	vld.idx.msk [tilespmem:v16+s13+$0x0], $0xffff;
	v21 =	vor.u32 v3, v14;
	[tilespmem:s1+$0x10] =	vst v25  }
0x120: {  	[tilespmem:s30+$0xFFFFFFE0] =	vst v26;
	v24 =	vld.idx.msk [tilespmem:v24+s13+$0x0], $0xffff  }
0x121: {  	v19 =	vld.idx.msk [tilespmem:v19+s13+$0x0], $0xffff;
	[tilespmem:s26+$0x70] =	vst v22;
	v22 =	vor.u32 v3, v15  }
0x122: {  	v10 =	vor.u32 v7, v10;
	[tilespmem:s0+$0x20] =	vst v17;
	v23 =	vld.idx.msk [tilespmem:v23+s13+$0x0], $0xffff  }
0x123: {  	[tilespmem:s24+$0x40] =	vst v28;
	v25 =	vld.idx.msk [tilespmem:v27+s13+$0x0], $0xffff;
	v27 =	vor.u32 v5, v9  }
0x124: {  	v26 =	vor.u32 v4, v13;
	[tilespmem:s29+$0x40] =	vst v16;
	v16 =	vld.idx.msk [tilespmem:v21+s13+$0x0], $0xffff  }
0x125: {  	v17 =	vld.idx.msk [tilespmem:v20+s13+$0x0], $0xffff;
	v20 =	vor.u32 v4, v14;
	[tilespmem:s1+$0x20] =	vst v24  }
0x126: {  	v21 =	vor.u32 v4, v12;
	[tilespmem:s25+$0x60] =	vst v19;
	v22 =	vld.idx.msk [tilespmem:v22+s13+$0x0], $0xffff  }
0x127: {  	v10 =	vld.idx.msk [tilespmem:v10+s13+$0x0], $0xffff;
	[tilespmem:s30+$0xFFFFFFF0] =	vst v23  }
0x128: {  	v19 =	vor.u32 v5, v11;
	[tilespmem:s31+$0x30] =	vst v25;
	v23 =	vld.idx.msk [tilespmem:v27+s13+$0x0], $0xffff  }
0x129: {  	[tilespmem:s0+$0x30] =	vst v16;
	v25 =	vor.u32 v6, v9;
	v24 =	vld.idx.msk [tilespmem:v26+s13+$0x0], $0xffff  }
0x12a: {  	[tilespmem:s22+$0x20] =	vst v17;
	v16 =	vor.u32 v5, v13;
	v17 =	vld.idx.msk [tilespmem:v20+s13+$0x0], $0xffff  }
0x12b: {  	v20 =	vld.idx.msk [tilespmem:v21+s13+$0x0], $0xffff;
	v21 =	vor.u32 v5, v14;
	[tilespmem:s1+$0x30] =	vst v22  }
0x12c: {  	[tilespmem:s25+$0x70] =	vst v10;
	v22 =	vor.u32 v5, v12;
	v18 =	vld.idx.msk [tilespmem:v18+s13+$0x0], $0xffff  }
0x12d: {  	v19 =	vld.idx.msk [tilespmem:v19+s13+$0x0], $0xffff;
	[tilespmem:s24+$0x50] =	vst v23;
	v23 =	vor.u32 v5, v15  }
0x12e: {  	v10 =	vor.u32 v6, v11;
	[tilespmem:s31+$0x40] =	vst v24;
	v24 =	vld.idx.msk [tilespmem:v25+s13+$0x0], $0xffff  }
0x12f: {  	v9 =	vor.u32 v7, v9;
	[tilespmem:s0+$0x40] =	vst v17;
	v16 =	vld.idx.msk [tilespmem:v16+s13+$0x0], $0xffff  }
0x130: {  	v17 =	vor.u32 v6, v13;
	[tilespmem:s30+$0x0] =	vst v20;
	v20 =	vld.idx.msk [tilespmem:v21+s13+$0x0], $0xffff  }
0x131: {  	v21 =	vld.idx.msk [tilespmem:v22+s13+$0x0], $0xffff;
	[tilespmem:s1+$0x40] =	vst v18;
	v18 =	vor.u32 v6, v14  }
0x132: {  	[tilespmem:s29+$0x50] =	vst v19;
	v19 =	vor.u32 v6, v12;
	v22 =	vld.idx.msk [tilespmem:v23+s13+$0x0], $0xffff  }
0x133: {  	v10 =	vld.idx.msk [tilespmem:v10+s13+$0x0], $0xffff;
	[tilespmem:s24+$0x60] =	vst v24;
	v23 =	vor.u32 v6, v15  }
0x134: {  	v8 =	vor.u32 v7, v8;
	v9 =	vld.idx.msk [tilespmem:v9+s13+$0x0], $0xffff;
	[tilespmem:s31+$0x50] =	vst v16  }
0x135: {  	v11 =	vor.u32 v7, v11;
	[tilespmem:s0+$0x50] =	vst v20;
	v16 =	vld.idx.msk [tilespmem:v17+s13+$0x0], $0xffff  }
0x136: {  	v13 =	vor.u32 v7, v13;
	[tilespmem:s30+$0x10] =	vst v21;
	v17 =	vld.idx.msk [tilespmem:v18+s13+$0x0], $0xffff  }
0x137: {  	v14 =	vor.u32 v7, v14;
	v18 =	vld.idx.msk [tilespmem:v19+s13+$0x0], $0xffff;
	[tilespmem:s1+$0x50] =	vst v22  }
0x138: {  	[tilespmem:s29+$0x60] =	vst v10;
	v10 =	vor.u32 v7, v12;
	v12 =	vld.idx.msk [tilespmem:v23+s13+$0x0], $0xffff  }
0x139: {  	v8 =	vld.idx.msk [tilespmem:v8+s13+$0x0], $0xffff;
	[tilespmem:s24+$0x70] =	vst v9;
	v9 =	vor.u32 v7, v15  }
0x13a: {  	v11 =	vld.idx.msk [tilespmem:v11+s13+$0x0], $0xffff;
	[tilespmem:s31+$0x60] =	vst v16  }
0x13b: {  	v13 =	vld.idx.msk [tilespmem:v13+s13+$0x0], $0xffff;
	[tilespmem:s0+$0x60] =	vst v17  }
0x13c: {  	[tilespmem:s30+$0x20] =	vst v18;
	v14 =	vld.idx.msk [tilespmem:v14+s13+$0x0], $0xffff  }
0x13d: {  	v10 =	vld.idx.msk [tilespmem:v10+s13+$0x0], $0xffff;
	[tilespmem:s1+$0x60] =	vst v12  }
0x13e: {  	[tilespmem:s22+$0x30] =	vst v8;
	v8 =	vld.idx.msk [tilespmem:v9+s13+$0x0], $0xffff  }
0x13f: {  	[tilespmem:s29+$0x70] =	vst v11  }
0x140: {  	[tilespmem:s31+$0x70] =	vst v13  }
0x141: {  	[tilespmem:s0+$0x70] =	vst v14  }
0x142: {  	s24 =	simm.s32 $0x0;
	[tilespmem:s30+$0x30] =	vst v10  }
0x143: {  	s26 =	simm.s32 $0xC200;
	s25 =	simm.s32 $0x1;
	[tilespmem:s1+$0x70] =	vst v8;
	v8 =	vmov s24  }
0x144: {  	v9 =	vmov s25;
	[hbm4b:s6+s15] =	stream.strided.scatter [tilespmem:s26], [sflag:$0x2], $0x4000, s16, s15, $0x38;
	v8 =	vand.u32 $0x7C, v8;
	[tilespmem:$0x10200] =	vst v63  }
0x145: {  	_ =	swait.ge [sflag:s14], $0x4000;
	v15 =	vbroadcast v8, $0x0;
	v8 =	vand.u32 $0x7D, v9  }
0x146: {  	[sflag:s14] =	ssyncset.done $0x0;
	v17 =	vbroadcast v8, $0x0  }
0x147: {  	s1 =	simm.s32 $0x180;
	[sflag:s14] =	ssyncadd.s32 $0xFFFFC000;
	v8 =	vor.u32 v0, v15  }
0x148: {  	[tilespmem:s13], [sflag:$0x1] =	stream.indirect.gather [hbm4b:s2+s11], $0x80, s1, s11, $0xb8;
	v9 =	vor.u32 v0, v17;
	[tilespmem:$0x10200] =	vst v63  }
0x149: {  	_ =	swait.ge [sflag:s20], $0x4000  }
0x14a: {  	[sflag:s20] =	ssyncset.done $0x0  }
0x14b: {  	[sflag:s20] =	ssyncadd.s32 $0xFFFFC000  }
0x14c: {  	v8 =	vld.idx.msk [tilespmem:v8+s12+$0x0], $0xffff  }
0x14d: {  	s5 =	simm.s32 $0x2;
	v10 =	vor.u32 v1, v15;
	v9 =	vld.idx.msk [tilespmem:v9+s12+$0x0], $0xffff  }
0x14e: {  	s17 =	simm.s32 $0x0;
	v11 =	vmov s5;
	v12 =	vor.u32 v1, v17  }
0x14f: {  	s18 =	simm.s32 $0x80;
	v11 =	vand.u32 $0x7E, v11;
	s0 =	sand.u32 $0x3C00, s17  }
0x150: {  	s23 =	simm.s32 $0x8240;
	s5 =	sand.u32 $0x280, s18;
	v16 =	vbroadcast v11, $0x0;
	s17 =	sor.u32 $0x8200, s0  }
0x151: {  	s19 =	simm.s32 $0x3;
	s0 =	sadd.s32 s5, s17;
	[tilespmem:s23+$0xFFFFFFC0] =	vst v8  }
0x152: {  	v8 =	vor.u32 v0, v16;
	[tilespmem:s0+$0x0] =	vst v9;
	v9 =	vld.idx.msk [tilespmem:v10+s12+$0x0], $0xffff;
	v10 =	vmov s19  }
0x153: {  	v11 =	vld.idx.msk [tilespmem:v12+s12+$0x0], $0xffff;
	v12 =	vor.u32 v2, v15;
	v10 =	vand.u32 $0x7F, v10  }
0x154: {  	v13 =	vor.u32 v2, v17;
	v18 =	vbroadcast v10, $0x0;
	_ =	sdelay $0x1  }
0x155: {  	s22 =	simm.s32 $0x4;
	v14 =	vor.u32 v0, v18  }
0x156: {  	v19 =	vld.idx.msk [tilespmem:v8+s12+$0x0], $0xffff;
	v8 =	vmov s22;
	[tilespmem:s23+$0xFFFFFFD0] =	vst v9  }
0x157: {  	v20 =	vor.u32 v1, v16;
	s24 =	simm.s32 $0x5;
	v8 =	vand.u32 $0x7C, v8;
	[tilespmem:s0+$0x10] =	vst v11;
	v11 =	vld.idx.msk [tilespmem:v12+s12+$0x0], $0xffff  }
0x158: {  	s25 =	simm.s32 $0x100;
	s26 =	simm.s32 $0x6;
	v9 =	vmov s24;
	v8 =	vbroadcast v8, $0x0;
	v12 =	vld.idx.msk [tilespmem:v13+s12+$0x0], $0xffff;
	v13 =	vor.u32 v3, v15  }
0x159: {  	s18 =	sand.u32 $0x300, s25;
	v22 =	vmov s26;
	v21 =	vor.u32 v3, v17;
	v9 =	vand.u32 $0x7D, v9  }
0x15a: {  	s28 =	sadd.s32 s18, s17;
	v10 =	vbroadcast v9, $0x0;
	v9 =	vand.u32 $0x7E, v22;
	v22 =	vor.u32 v0, v8;
	v14 =	vld.idx.msk [tilespmem:v14+s12+$0x0], $0xffff  }
0x15b: {  	v9 =	vbroadcast v9, $0x0;
	[tilespmem:s28+$0x0] =	vst v19;
	v19 =	vor.u32 v1, v18  }
0x15c: {  	v23 =	vor.u32 v0, v10;
	v20 =	vld.idx.msk [tilespmem:v20+s12+$0x0], $0xffff;
	[tilespmem:s23+$0xFFFFFFE0] =	vst v11  }
0x15d: {  	s1 =	sand.u32 $0x380, s1;
	v11 =	vor.u32 v0, v9;
	[tilespmem:s0+$0x20] =	vst v12;
	v12 =	vld.idx.msk [tilespmem:v13+s12+$0x0], $0xffff  }
0x15e: {  	s26 =	sadd.s32 s1, s17;
	v13 =	vld.idx.msk [tilespmem:v21+s12+$0x0], $0xffff;
	v21 =	vor.u32 v4, v15  }
0x15f: {  	v24 =	vor.u32 v4, v17;
	v22 =	vld.idx.msk [tilespmem:v22+s12+$0x0], $0xffff;
	[tilespmem:s26+$0x0] =	vst v14  }
0x160: {  	v14 =	vor.u32 v2, v16;
	v19 =	vld.idx.msk [tilespmem:v19+s12+$0x0], $0xffff  }
0x161: {  	v25 =	vor.u32 v2, v18;
	v23 =	vld.idx.msk [tilespmem:v23+s12+$0x0], $0xffff  }
0x162: {  	v26 =	vor.u32 v1, v8;
	v11 =	vld.idx.msk [tilespmem:v11+s12+$0x0], $0xffff;
	[tilespmem:s23+$0xFFFFFFF0] =	vst v12  }
0x163: {  	s18 =	simm.s32 $0x200;
	v12 =	vor.u32 v1, v10;
	[tilespmem:s0+$0x30] =	vst v13;
	v13 =	vld.idx.msk [tilespmem:v21+s12+$0x0], $0xffff  }
0x164: {  	s1 =	sand.u32 $0x3C00, s18;
	s19 =	simm.s32 $0x280;
	[tilespmem:s28+$0x10] =	vst v20;
	v21 =	vor.u32 v5, v15;
	v20 =	vld.idx.msk [tilespmem:v24+s12+$0x0], $0xffff  }
0x165: {  	s1 =	sor.u32 $0x8200, s1;
	s5 =	sand.u32 $0x280, s19;
	s22 =	simm.s32 $0x8440;
	v24 =	vor.u32 v1, v9;
	v14 =	vld.idx.msk [tilespmem:v14+s12+$0x0], $0xffff;
	[tilespmem:s26+$0x10] =	vst v19  }
0x166: {  	s25 =	sadd.s32 s5, s1;
	s24 =	simm.s32 $0x300;
	[tilespmem:s22+$0xFFFFFFC0] =	vst v22;
	v19 =	vor.u32 v3, v16;
	v22 =	vld.idx.msk [tilespmem:v25+s12+$0x0], $0xffff  }
0x167: {  	s17 =	sand.u32 $0x300, s24;
	[tilespmem:s25+$0x0] =	vst v23;
	v23 =	vld.idx.msk [tilespmem:v26+s12+$0x0], $0xffff;
	v25 =	vor.u32 v3, v18  }
0x168: {  	s18 =	simm.s32 $0x7;
	s24 =	sadd.s32 s17, s1;
	v12 =	vld.idx.msk [tilespmem:v12+s12+$0x0], $0xffff;
	[tilespmem:s23+$0x0] =	vst v13;
	v13 =	vor.u32 v5, v17  }
0x169: {  	v27 =	vor.u32 v2, v10;
	v26 =	vmov s18;
	[tilespmem:s24+$0x0] =	vst v11;
	v21 =	vld.idx.msk [tilespmem:v21+s12+$0x0], $0xffff  }
0x16a: {  	v11 =	vand.u32 $0x7F, v26;
	v24 =	vld.idx.msk [tilespmem:v24+s12+$0x0], $0xffff;
	[tilespmem:s28+$0x20] =	vst v14;
	v14 =	vor.u32 v2, v8  }
0x16b: {  	v11 =	vbroadcast v11, $0x0;
	v19 =	vld.idx.msk [tilespmem:v19+s12+$0x0], $0xffff;
	[tilespmem:s26+$0x20] =	vst v22;
	v22 =	vor.u32 v6, v15  }
0x16c: {  	v28 =	vor.u32 v4, v16;
	[tilespmem:s0+$0x40] =	vst v20;
	v20 =	vld.idx.msk [tilespmem:v25+s12+$0x0], $0xffff  }
0x16d: {  	s19 =	simm.s32 $0x8;
	v25 =	vor.u32 v0, v11;
	[tilespmem:s25+$0x10] =	vst v12;
	v26 =	vld.idx.msk [tilespmem:v13+s12+$0x0], $0xffff  }
0x16e: {  	v29 =	vor.u32 v4, v18;
	s17 =	simm.s32 $0x9;
	[tilespmem:s22+$0xFFFFFFD0] =	vst v23;
	v12 =	vmov s19;
	v23 =	vld.idx.msk [tilespmem:v27+s12+$0x0], $0xffff  }
0x16f: {  	v12 =	vand.u32 $0x7C, v12;
	v13 =	vmov s17;
	v27 =	vor.u32 v3, v10;
	[tilespmem:s23+$0x10] =	vst v21;
	v21 =	vld.idx.msk [tilespmem:v14+s12+$0x0], $0xffff  }
0x170: {  	v30 =	vor.u32 v6, v17;
	s18 =	simm.s32 $0xA;
	v12 =	vbroadcast v12, $0x0;
	v13 =	vand.u32 $0x7D, v13;
	[tilespmem:s28+$0x30] =	vst v19;
	v22 =	vld.idx.msk [tilespmem:v22+s12+$0x0], $0xffff  }
0x171: {  	v14 =	vmov s18;
	v13 =	vbroadcast v13, $0x0;
	v19 =	vor.u32 v3, v8;
	v28 =	vld.idx.msk [tilespmem:v28+s12+$0x0], $0xffff  }
0x172: {  	v14 =	vand.u32 $0x7E, v14;
	v25 =	vld.idx.msk [tilespmem:v25+s12+$0x0], $0xffff;
	[tilespmem:s26+$0x30] =	vst v20;
	v20 =	vor.u32 v0, v12  }
0x173: {  	v14 =	vbroadcast v14, $0x0;
	v31 =	vor.u32 v0, v13;
	[tilespmem:s25+$0x20] =	vst v23;
	v23 =	vld.idx.msk [tilespmem:v29+s12+$0x0], $0xffff  }
0x174: {  	v29 =	vor.u32 v1, v11;
	[tilespmem:s0+$0x50] =	vst v26;
	v27 =	vld.idx.msk [tilespmem:v27+s12+$0x0], $0xffff  }
0x175: {  	s19 =	simm.s32 $0x380;
	v26 =	vor.u32 v0, v14;
	[tilespmem:s22+$0xFFFFFFE0] =	vst v21;
	v21 =	vld.idx.msk [tilespmem:v30+s12+$0x0], $0xffff  }
0x176: {  	s5 =	sand.u32 $0x380, s19;
	[tilespmem:s24+$0x10] =	vst v24;
	v24 =	vor.u32 v4, v10;
	v19 =	vld.idx.msk [tilespmem:v19+s12+$0x0], $0xffff  }
0x177: {  	v17 =	vor.u32 v7, v17;
	s29 =	sadd.s32 s5, s1;
	[tilespmem:s28+$0x40] =	vst v28;
	v20 =	vld.idx.msk [tilespmem:v20+s12+$0x0], $0xffff  }
0x178: {  	v28 =	vor.u32 v5, v16;
	[tilespmem:s29+$0x0] =	vst v25;
	v25 =	vld.idx.msk [tilespmem:v31+s12+$0x0], $0xffff  }
0x179: {  	v30 =	vor.u32 v5, v18;
	v29 =	vld.idx.msk [tilespmem:v29+s12+$0x0], $0xffff;
	[tilespmem:s26+$0x40] =	vst v23  }
0x17a: {  	v23 =	vld.idx.msk [tilespmem:v26+s12+$0x0], $0xffff;
	v26 =	vor.u32 v4, v8;
	[tilespmem:s25+$0x30] =	vst v27  }
0x17b: {  	s5 =	simm.s32 $0x400;
	v27 =	vor.u32 v1, v12;
	[tilespmem:s0+$0x60] =	vst v21;
	v24 =	vld.idx.msk [tilespmem:v24+s12+$0x0], $0xffff  }
0x17c: {  	s30 =	simm.s32 $0x8640;
	s17 =	simm.s32 $0x480;
	s1 =	sand.u32 $0x3C00, s5;
	v21 =	vor.u32 v2, v9;
	[tilespmem:s22+$0xFFFFFFF0] =	vst v19;
	v17 =	vld.idx.msk [tilespmem:v17+s12+$0x0], $0xffff  }
0x17d: {  	s5 =	sand.u32 $0x280, s17;
	s1 =	sor.u32 $0x8200, s1;
	v19 =	vor.u32 v1, v13;
	[tilespmem:s30+$0xFFFFFFC0] =	vst v20;
	v20 =	vld.idx.msk [tilespmem:v28+s12+$0x0], $0xffff  }
0x17e: {  	v15 =	vor.u32 v7, v15;
	s31 =	sadd.s32 s5, s1;
	[tilespmem:s23+$0x20] =	vst v22;
	v28 =	vld.idx.msk [tilespmem:v30+s12+$0x0], $0xffff  }
0x17f: {  	[tilespmem:s31+$0x0] =	vst v25;
	v25 =	vor.u32 v2, v11;
	v26 =	vld.idx.msk [tilespmem:v26+s12+$0x0], $0xffff  }
0x180: {  	v22 =	vor.u32 v6, v16;
	[tilespmem:s29+$0x10] =	vst v29;
	v30 =	vld.idx.msk [tilespmem:v27+s12+$0x0], $0xffff  }
0x181: {  	v27 =	vor.u32 v5, v8;
	v21 =	vld.idx.msk [tilespmem:v21+s12+$0x0], $0xffff;
	[tilespmem:s25+$0x40] =	vst v24  }
0x182: {  	v32 =	vor.u32 v5, v10;
	v29 =	vld.idx.msk [tilespmem:v19+s12+$0x0], $0xffff;
	[tilespmem:s0+$0x70] =	vst v17  }
0x183: {  	s18 =	simm.s32 $0x500;
	v24 =	vor.u32 v1, v14;
	v19 =	vld.idx.msk [tilespmem:v15+s12+$0x0], $0xffff;
	[tilespmem:s28+$0x50] =	vst v20  }
0x184: {  	v17 =	vor.u32 v3, v9;
	s0 =	sand.u32 $0x300, s18;
	v25 =	vld.idx.msk [tilespmem:v25+s12+$0x0], $0xffff;
	[tilespmem:s26+$0x50] =	vst v28  }
0x185: {  	s0 =	sadd.s32 s0, s1;
	v20 =	vor.u32 v6, v18;
	v22 =	vld.idx.msk [tilespmem:v22+s12+$0x0], $0xffff;
	[tilespmem:s22+$0x0] =	vst v26  }
0x186: {  	s19 =	simm.s32 $0xB;
	[tilespmem:s0+$0x0] =	vst v23;
	v26 =	vor.u32 v3, v11;
	v23 =	vld.idx.msk [tilespmem:v27+s12+$0x0], $0xffff  }
0x187: {  	v15 =	vmov s19;
	v28 =	vor.u32 v7, v16;
	[tilespmem:s24+$0x20] =	vst v21;
	v21 =	vld.idx.msk [tilespmem:v32+s12+$0x0], $0xffff  }
0x188: {  	v33 =	vor.u32 v2, v13;
	v15 =	vand.u32 $0x7F, v15;
	[tilespmem:s30+$0xFFFFFFD0] =	vst v30;
	v31 =	vld.idx.msk [tilespmem:v24+s12+$0x0], $0xffff  }
0x189: {  	v15 =	vbroadcast v15, $0x0;
	[tilespmem:s31+$0x10] =	vst v29;
	v27 =	vld.idx.msk [tilespmem:v17+s12+$0x0], $0xffff  }
0x18a: {  	v16 =	vor.u32 v4, v11;
	v29 =	vor.u32 v2, v12;
	[tilespmem:s29+$0x20] =	vst v25;
	v25 =	vld.idx.msk [tilespmem:v20+s12+$0x0], $0xffff  }
0x18b: {  	v30 =	vor.u32 v0, v15;
	v20 =	vor.u32 v6, v8;
	v26 =	vld.idx.msk [tilespmem:v26+s12+$0x0], $0xffff;
	[tilespmem:s28+$0x60] =	vst v22  }
0x18c: {  	v17 =	vor.u32 v2, v14;
	v22 =	vor.u32 v7, v18;
	v24 =	vld.idx.msk [tilespmem:v28+s12+$0x0], $0xffff;
	[tilespmem:s22+$0x10] =	vst v23  }
0x18d: {  	s17 =	simm.s32 $0xC;
	s18 =	simm.s32 $0x580;
	v18 =	vor.u32 v4, v15;
	v23 =	vld.idx.msk [tilespmem:v33+s12+$0x0], $0xffff;
	v28 =	vor.u32 v4, v9;
	[tilespmem:s0+$0x10] =	vst v31  }
.LBB2_6:
0x18e: {  	s5 =	sadd.s32 $0x1, s17  }
0x18f: {  	v31 =	vmov s17;
	p0 =	slt.u32 s17, $0x7C;
	v29 =	vld.idx.msk [tilespmem:v29+s12+$0x0], $0xffff;
	v32 =	vor.u32 v6, v10;
	[tilespmem:s24+$0x30] =	vst v27;
	s19 =	smov.u32 s17;
	s17 =	sadd.s32 $0x4, s17  }
0x190: {  	v33 =	vor.u32 v3, v13;
	v27 =	vand.u32 $0x7C, v31;
	v31 =	vmov s5;
	s5 =	sadd.s32 $0x2, s19;
	v20 =	vld.idx.msk [tilespmem:v20+s12+$0x0], $0xffff;
	[tilespmem:s26+$0x60] =	vst v25  }
0x191: {  	v25 =	vbroadcast v27, $0x0;
	v27 =	vand.u32 $0x7D, v31;
	v31 =	vmov s5;
	[tilespmem:s29+$0x30] =	vst v26;
	v22 =	vld.idx.msk [tilespmem:v22+s12+$0x0], $0xffff  }
0x192: {  	v26 =	vbroadcast v27, $0x0;
	v27 =	vand.u32 $0x7E, v31;
	v31 =	vor.u32 v3, v12;
	v30 =	vld.idx.msk [tilespmem:v30+s12+$0x0], $0xffff;
	[tilespmem:s28+$0x70] =	vst v24;
	s28 =	smov.u32 s24;
	s24 =	smov.u32 s0  }
0x193: {  	v24 =	vor.u32 v0, v25;
	v27 =	vbroadcast v27, $0x0;
	v28 =	vld.idx.msk [tilespmem:v28+s12+$0x0], $0xffff;
	[tilespmem:s23+$0x30] =	vst v19;
	s23 =	smov.u32 s22;
	s22 =	smov.u32 s30  }
0x194: {  	v19 =	vor.u32 v0, v26;
	[tilespmem:s31+$0x20] =	vst v23;
	v23 =	vld.idx.msk [tilespmem:v16+s12+$0x0], $0xffff;
	v16 =	vmov v18  }
0x195: {  	v34 =	vor.u32 v1, v15;
	v18 =	vor.u32 v0, v27;
	v33 =	vld.idx.msk [tilespmem:v33+s12+$0x0], $0xffff;
	[tilespmem:s25+$0x50] =	vst v21  }
0x196: {  	s0 =	sand.u32 $0x380, s18;
	[tilespmem:s30+$0xFFFFFFE0] =	vst v29;
	v21 =	vld.idx.msk [tilespmem:v32+s12+$0x0], $0xffff  }
0x197: {  	v29 =	vld.idx.msk [tilespmem:v31+s12+$0x0], $0xffff;
	v31 =	vor.u32 v4, v13;
	[tilespmem:s26+$0x70] =	vst v22;
	s26 =	smov.u32 s29;
	s29 =	sadd.s32 s0, s1  }
0x198: {  	v22 =	vld.idx.msk [tilespmem:v24+s12+$0x0], $0xffff;
	[tilespmem:s29+$0x0] =	vst v30;
	v24 =	vor.u32 v7, v10;
	v10 =	vmov v13;
	v13 =	vmov v26  }
0x199: {  	v26 =	vor.u32 v5, v9;
	v19 =	vld.idx.msk [tilespmem:v19+s12+$0x0], $0xffff;
	[tilespmem:s28+$0x40] =	vst v28;
	v28 =	vor.u32 v5, v11  }
0x19a: {  	s18 =	sadd.s32 $0x200, s18;
	v30 =	vor.u32 v1, v25;
	v32 =	vld.idx.msk [tilespmem:v34+s12+$0x0], $0xffff;
	[tilespmem:s26+$0x40] =	vst v23  }
0x19b: {  	s0 =	sadd.s32 $0xFFFFFE80, s18;
	v23 =	vor.u32 v1, v13;
	v34 =	vor.u32 v4, v12;
	v18 =	vld.idx.msk [tilespmem:v18+s12+$0x0], $0xffff;
	[tilespmem:s31+$0x30] =	vst v33  }
0x19c: {  	s30 =	sadd.s32 $0x200, s30;
	s1 =	sadd.s32 $0xFFFFFF00, s18;
	s0 =	sand.u32 $0x3C00, s0;
	v33 =	vor.u32 v1, v27;
	v31 =	vld.idx.msk [tilespmem:v31+s12+$0x0], $0xffff;
	[tilespmem:s25+$0x60] =	vst v21  }
0x19d: {  	s5 =	sand.u32 $0x280, s1;
	s1 =	sor.u32 $0x8200, s0;
	s0 =	sadd.s32 $0xFFFFFF80, s18;
	[tilespmem:s22+$0xFFFFFFF0] =	vst v29;
	v21 =	vld.idx.msk [tilespmem:v24+s12+$0x0], $0xffff  }
0x19e: {  	s5 =	sadd.s32 s5, s1;
	s0 =	sand.u32 $0x300, s0;
	[tilespmem:s30+$0xFFFFFFC0] =	vst v22;
	v22 =	vld.idx.msk [tilespmem:v26+s12+$0x0], $0xffff  }
0x19f: {  	s0 =	sadd.s32 s0, s1;
	[tilespmem:s5+$0x0] =	vst v19;
	v19 =	vor.u32 v2, v15;
	v24 =	vld.idx.msk [tilespmem:v28+s12+$0x0], $0xffff  }
0x1a0: {  	v26 =	vld.idx.msk [tilespmem:v34+s12+$0x0], $0xffff;
	[tilespmem:s23+$0x20] =	vst v20;
	v20 =	vor.u32 v6, v9  }
0x1a1: {  	v29 =	vor.u32 v7, v8;
	v8 =	vmov v12;
	v12 =	vmov v25;
	v28 =	vld.idx.msk [tilespmem:v30+s12+$0x0], $0xffff;
	[tilespmem:s29+$0x10] =	vst v32  }
0x1a2: {  	v25 =	vor.u32 v5, v8;
	v32 =	vor.u32 v2, v13;
	[tilespmem:s31+$0x40] =	vst v31;
	v30 =	vld.idx.msk [tilespmem:v17+s12+$0x0], $0xffff  }
0x1a3: {  	v17 =	vor.u32 v2, v27;
	v23 =	vld.idx.msk [tilespmem:v23+s12+$0x0], $0xffff;
	[tilespmem:s25+$0x70] =	vst v21;
	s25 =	smov.u32 s31;
	s31 =	smov.u32 s5  }
0x1a4: {  	v34 =	vor.u32 v6, v11;
	v21 =	vor.u32 v3, v14;
	v31 =	vld.idx.msk [tilespmem:v19+s12+$0x0], $0xffff;
	[tilespmem:s28+$0x50] =	vst v22  }
0x1a5: {  	v35 =	vld.idx.msk [tilespmem:v20+s12+$0x0], $0xffff;
	[tilespmem:s26+$0x50] =	vst v24  }
0x1a6: {  	v24 =	vor.u32 v3, v15;
	[tilespmem:s22+$0x0] =	vst v26;
	v19 =	vld.idx.msk [tilespmem:v29+s12+$0x0], $0xffff  }
0x1a7: {  	[tilespmem:s0+$0x0] =	vst v18;
	v36 =	vld.idx.msk [tilespmem:v25+s12+$0x0], $0xffff;
	v18 =	vor.u32 v7, v9;
	v9 =	vmov v14;
	v14 =	vmov v27  }
0x1a8: {  	v37 =	vor.u32 v5, v10;
	s5 =	sadd.s32 $0x3, s19;
	v33 =	vld.idx.msk [tilespmem:v33+s12+$0x0], $0xffff;
	[tilespmem:s24+$0x20] =	vst v30  }
0x1a9: {  	v22 =	vor.u32 v7, v11;
	v11 =	vmov v15;
	v20 =	vmov s5;
	[tilespmem:s31+$0x10] =	vst v23;
	v27 =	vld.idx.msk [tilespmem:v21+s12+$0x0], $0xffff  }
.Ltmp2:
0x1aa: {  	v29 =	vor.u32 v2, v12;
	v15 =	vand.u32 $0x7F, v20;
	[tilespmem:s29+$0x20] =	vst v31;
	v25 =	vld.idx.msk [tilespmem:v34+s12+$0x0], $0xffff;
	(pc) =	sbr.rel @p0 .LBB2_6-.Ltmp2, $4  }
0x1ab: {  	v20 =	vor.u32 v6, v8;
	v15 =	vbroadcast v15, $0x0;
	v26 =	vld.idx.msk [tilespmem:v24+s12+$0x0], $0xffff;
	[tilespmem:s28+$0x60] =	vst v35  }
0x1ac: {  	[tilespmem:s30+$0xFFFFFFD0] =	vst v28;
	v24 =	vld.idx.msk [tilespmem:v18+s12+$0x0], $0xffff  }
0x1ad: {  	v30 =	vor.u32 v0, v15;
	v18 =	vor.u32 v4, v15;
	[tilespmem:s22+$0x10] =	vst v36;
	v21 =	vld.idx.msk [tilespmem:v37+s12+$0x0], $0xffff  }
0x1ae: {  	v28 =	vor.u32 v4, v9;
	v23 =	vld.idx.msk [tilespmem:v32+s12+$0x0], $0xffff;
	[tilespmem:s0+$0x10] =	vst v33  }
0x1af: {  	_ =	sdelay $0x3  }
0x1b0: {  	v30 =	vld.idx.msk [tilespmem:v30+s12+$0x0], $0xffff  }
0x1b1: {  	v31 =	vor.u32 v1, v15;
	_ =	sdelay $0x1  }
0x1b2: {  	[tilespmem:s24+$0x30] =	vst v27;
	s5 =	sand.u32 $0x380, s18  }
0x1b3: {  	[tilespmem:s26+$0x60] =	vst v25;
	s1 =	sadd.s32 s5, s1  }
0x1b4: {  	[tilespmem:s1+$0x0] =	vst v30  }
0x1b5: {  	[tilespmem:s29+$0x30] =	vst v26;
	v25 =	vld.idx.msk [tilespmem:v31+s12+$0x0], $0xffff  }
0x1b6: {  	v26 =	vld.idx.msk [tilespmem:v29+s12+$0x0], $0xffff;
	[tilespmem:s28+$0x70] =	vst v24;
	v24 =	vor.u32 v2, v15  }
0x1b7: {  	[tilespmem:s23+$0x30] =	vst v19;
	v19 =	vor.u32 v6, v10;
	v22 =	vld.idx.msk [tilespmem:v22+s12+$0x0], $0xffff  }
0x1b8: {  	v17 =	vld.idx.msk [tilespmem:v17+s12+$0x0], $0xffff;
	[tilespmem:s31+$0x20] =	vst v23;
	v23 =	vor.u32 v3, v12  }
0x1b9: {  	v27 =	vor.u32 v3, v13;
	v28 =	vld.idx.msk [tilespmem:v28+s12+$0x0], $0xffff;
	[tilespmem:s25+$0x50] =	vst v21  }
0x1ba: {  	v16 =	vld.idx.msk [tilespmem:v16+s12+$0x0], $0xffff;
	v21 =	vor.u32 v3, v14;
	[tilespmem:s1+$0x10] =	vst v25  }
0x1bb: {  	[tilespmem:s30+$0xFFFFFFE0] =	vst v26;
	v24 =	vld.idx.msk [tilespmem:v24+s12+$0x0], $0xffff  }
0x1bc: {  	v19 =	vld.idx.msk [tilespmem:v19+s12+$0x0], $0xffff;
	[tilespmem:s26+$0x70] =	vst v22;
	v22 =	vor.u32 v3, v15  }
0x1bd: {  	v10 =	vor.u32 v7, v10;
	[tilespmem:s0+$0x20] =	vst v17;
	v23 =	vld.idx.msk [tilespmem:v23+s12+$0x0], $0xffff  }
0x1be: {  	[tilespmem:s24+$0x40] =	vst v28;
	v25 =	vld.idx.msk [tilespmem:v27+s12+$0x0], $0xffff;
	v27 =	vor.u32 v5, v9  }
0x1bf: {  	v26 =	vor.u32 v4, v13;
	[tilespmem:s29+$0x40] =	vst v16;
	v16 =	vld.idx.msk [tilespmem:v21+s12+$0x0], $0xffff  }
0x1c0: {  	v17 =	vld.idx.msk [tilespmem:v20+s12+$0x0], $0xffff;
	v20 =	vor.u32 v4, v14;
	[tilespmem:s1+$0x20] =	vst v24  }
0x1c1: {  	v21 =	vor.u32 v4, v12;
	[tilespmem:s25+$0x60] =	vst v19;
	v22 =	vld.idx.msk [tilespmem:v22+s12+$0x0], $0xffff  }
0x1c2: {  	v10 =	vld.idx.msk [tilespmem:v10+s12+$0x0], $0xffff;
	[tilespmem:s30+$0xFFFFFFF0] =	vst v23  }
0x1c3: {  	v19 =	vor.u32 v5, v11;
	[tilespmem:s31+$0x30] =	vst v25;
	v23 =	vld.idx.msk [tilespmem:v27+s12+$0x0], $0xffff  }
0x1c4: {  	[tilespmem:s0+$0x30] =	vst v16;
	v25 =	vor.u32 v6, v9;
	v24 =	vld.idx.msk [tilespmem:v26+s12+$0x0], $0xffff  }
0x1c5: {  	[tilespmem:s22+$0x20] =	vst v17;
	v16 =	vor.u32 v5, v13;
	v17 =	vld.idx.msk [tilespmem:v20+s12+$0x0], $0xffff  }
0x1c6: {  	v20 =	vld.idx.msk [tilespmem:v21+s12+$0x0], $0xffff;
	v21 =	vor.u32 v5, v14;
	[tilespmem:s1+$0x30] =	vst v22  }
0x1c7: {  	[tilespmem:s25+$0x70] =	vst v10;
	v22 =	vor.u32 v5, v12;
	v18 =	vld.idx.msk [tilespmem:v18+s12+$0x0], $0xffff  }
0x1c8: {  	v19 =	vld.idx.msk [tilespmem:v19+s12+$0x0], $0xffff;
	[tilespmem:s24+$0x50] =	vst v23;
	v23 =	vor.u32 v5, v15  }
0x1c9: {  	v10 =	vor.u32 v6, v11;
	[tilespmem:s31+$0x40] =	vst v24;
	v24 =	vld.idx.msk [tilespmem:v25+s12+$0x0], $0xffff  }
0x1ca: {  	v9 =	vor.u32 v7, v9;
	[tilespmem:s0+$0x40] =	vst v17;
	v16 =	vld.idx.msk [tilespmem:v16+s12+$0x0], $0xffff  }
0x1cb: {  	v17 =	vor.u32 v6, v13;
	[tilespmem:s30+$0x0] =	vst v20;
	v20 =	vld.idx.msk [tilespmem:v21+s12+$0x0], $0xffff  }
0x1cc: {  	v21 =	vld.idx.msk [tilespmem:v22+s12+$0x0], $0xffff;
	[tilespmem:s1+$0x40] =	vst v18;
	v18 =	vor.u32 v6, v14  }
0x1cd: {  	[tilespmem:s29+$0x50] =	vst v19;
	v19 =	vor.u32 v6, v12;
	v22 =	vld.idx.msk [tilespmem:v23+s12+$0x0], $0xffff  }
0x1ce: {  	v10 =	vld.idx.msk [tilespmem:v10+s12+$0x0], $0xffff;
	[tilespmem:s24+$0x60] =	vst v24;
	v23 =	vor.u32 v6, v15  }
0x1cf: {  	v8 =	vor.u32 v7, v8;
	v9 =	vld.idx.msk [tilespmem:v9+s12+$0x0], $0xffff;
	[tilespmem:s31+$0x50] =	vst v16  }
0x1d0: {  	v11 =	vor.u32 v7, v11;
	[tilespmem:s0+$0x50] =	vst v20;
	v16 =	vld.idx.msk [tilespmem:v17+s12+$0x0], $0xffff  }
0x1d1: {  	v13 =	vor.u32 v7, v13;
	[tilespmem:s30+$0x10] =	vst v21;
	v17 =	vld.idx.msk [tilespmem:v18+s12+$0x0], $0xffff  }
0x1d2: {  	v14 =	vor.u32 v7, v14;
	v18 =	vld.idx.msk [tilespmem:v19+s12+$0x0], $0xffff;
	[tilespmem:s1+$0x50] =	vst v22  }
0x1d3: {  	[tilespmem:s29+$0x60] =	vst v10;
	v10 =	vor.u32 v7, v12;
	v12 =	vld.idx.msk [tilespmem:v23+s12+$0x0], $0xffff  }
0x1d4: {  	v8 =	vld.idx.msk [tilespmem:v8+s12+$0x0], $0xffff;
	[tilespmem:s24+$0x70] =	vst v9;
	v9 =	vor.u32 v7, v15  }
0x1d5: {  	v11 =	vld.idx.msk [tilespmem:v11+s12+$0x0], $0xffff;
	[tilespmem:s31+$0x60] =	vst v16  }
0x1d6: {  	v13 =	vld.idx.msk [tilespmem:v13+s12+$0x0], $0xffff;
	[tilespmem:s0+$0x60] =	vst v17  }
0x1d7: {  	[tilespmem:s30+$0x20] =	vst v18;
	v14 =	vld.idx.msk [tilespmem:v14+s12+$0x0], $0xffff  }
0x1d8: {  	v10 =	vld.idx.msk [tilespmem:v10+s12+$0x0], $0xffff;
	[tilespmem:s1+$0x60] =	vst v12  }
0x1d9: {  	[tilespmem:s22+$0x30] =	vst v8;
	v8 =	vld.idx.msk [tilespmem:v9+s12+$0x0], $0xffff  }
0x1da: {  	[tilespmem:s29+$0x70] =	vst v11  }
0x1db: {  	[tilespmem:s31+$0x70] =	vst v13  }
0x1dc: {  	s25 =	simm.s32 $0x0;
	[tilespmem:s0+$0x70] =	vst v14  }
0x1dd: {  	s26 =	simm.s32 $0x1;
	v9 =	vmov s25;
	[tilespmem:s30+$0x30] =	vst v10  }
0x1de: {  	[tilespmem:s1+$0x70] =	vst v8;
	v8 =	vand.u32 $0x7C, v9;
	v9 =	vmov s26;
	s1 =	simm.s32 $0x8200  }
0x1df: {  	[hbm4b:s7+s15] =	stream.strided.scatter [tilespmem:s1], [sflag:$0x2], $0x4000, s16, s15, $0x38;
	v15 =	vbroadcast v8, $0x0;
	v8 =	vand.u32 $0x7D, v9;
	[tilespmem:$0x10200] =	vst v63  }
0x1e0: {  	_ =	swait.ge [sflag:s14], $0x4000;
	v17 =	vbroadcast v8, $0x0  }
0x1e1: {  	[sflag:s14] =	ssyncset.done $0x0;
	v8 =	vor.u32 v0, v15  }
0x1e2: {  	[sflag:s14] =	ssyncadd.s32 $0xFFFFC000;
	v9 =	vor.u32 v0, v17  }
0x1e3: {  	_ =	swait.ge [sflag:s20], $0x4000  }
0x1e4: {  	[sflag:s20] =	ssyncset.done $0x0  }
0x1e5: {  	[sflag:s20] =	ssyncadd.s32 $0xFFFFC000  }
0x1e6: {  	v8 =	vld.idx.msk [tilespmem:v8+s13+$0x0], $0xffff  }
0x1e7: {  	s5 =	simm.s32 $0x2;
	v10 =	vor.u32 v1, v15;
	v9 =	vld.idx.msk [tilespmem:v9+s13+$0x0], $0xffff  }
0x1e8: {  	s17 =	simm.s32 $0x0;
	v11 =	vmov s5;
	v12 =	vor.u32 v1, v17  }
0x1e9: {  	s18 =	simm.s32 $0x80;
	v11 =	vand.u32 $0x7E, v11;
	s0 =	sand.u32 $0x3C00, s17  }
0x1ea: {  	s23 =	simm.s32 $0xC240;
	v16 =	vbroadcast v11, $0x0;
	s19 =	sor.u32 $0xC200, s0;
	s1 =	sand.u32 $0x280, s18  }
0x1eb: {  	s22 =	simm.s32 $0x3;
	s0 =	sadd.s32 s1, s19;
	[tilespmem:s23+$0xFFFFFFC0] =	vst v8  }
0x1ec: {  	v8 =	vor.u32 v0, v16;
	[tilespmem:s0+$0x0] =	vst v9;
	v9 =	vld.idx.msk [tilespmem:v10+s13+$0x0], $0xffff;
	v10 =	vmov s22  }
0x1ed: {  	v11 =	vld.idx.msk [tilespmem:v12+s13+$0x0], $0xffff;
	v12 =	vor.u32 v2, v15;
	v10 =	vand.u32 $0x7F, v10  }
0x1ee: {  	v13 =	vor.u32 v2, v17;
	v18 =	vbroadcast v10, $0x0;
	_ =	sdelay $0x1  }
0x1ef: {  	s24 =	simm.s32 $0x4;
	v14 =	vor.u32 v0, v18  }
0x1f0: {  	v19 =	vld.idx.msk [tilespmem:v8+s13+$0x0], $0xffff;
	v8 =	vmov s24;
	[tilespmem:s23+$0xFFFFFFD0] =	vst v9  }
0x1f1: {  	v20 =	vor.u32 v1, v16;
	s25 =	simm.s32 $0x5;
	v8 =	vand.u32 $0x7C, v8;
	[tilespmem:s0+$0x10] =	vst v11;
	v11 =	vld.idx.msk [tilespmem:v12+s13+$0x0], $0xffff  }
0x1f2: {  	s17 =	simm.s32 $0x100;
	s26 =	simm.s32 $0x6;
	v9 =	vmov s25;
	v8 =	vbroadcast v8, $0x0;
	v12 =	vld.idx.msk [tilespmem:v13+s13+$0x0], $0xffff;
	v13 =	vor.u32 v3, v15  }
0x1f3: {  	s17 =	sand.u32 $0x300, s17;
	v22 =	vmov s26;
	v21 =	vor.u32 v3, v17;
	v9 =	vand.u32 $0x7D, v9  }
0x1f4: {  	s28 =	sadd.s32 s17, s19;
	v10 =	vbroadcast v9, $0x0;
	v9 =	vand.u32 $0x7E, v22;
	v22 =	vor.u32 v0, v8;
	v14 =	vld.idx.msk [tilespmem:v14+s13+$0x0], $0xffff  }
0x1f5: {  	v9 =	vbroadcast v9, $0x0;
	[tilespmem:s28+$0x0] =	vst v19;
	v19 =	vor.u32 v1, v18  }
0x1f6: {  	s17 =	simm.s32 $0x180;
	v23 =	vor.u32 v0, v10;
	v20 =	vld.idx.msk [tilespmem:v20+s13+$0x0], $0xffff;
	[tilespmem:s23+$0xFFFFFFE0] =	vst v11  }
0x1f7: {  	s1 =	sand.u32 $0x380, s17;
	v11 =	vor.u32 v0, v9;
	[tilespmem:s0+$0x20] =	vst v12;
	v12 =	vld.idx.msk [tilespmem:v13+s13+$0x0], $0xffff  }
0x1f8: {  	s26 =	sadd.s32 s1, s19;
	v13 =	vld.idx.msk [tilespmem:v21+s13+$0x0], $0xffff;
	v21 =	vor.u32 v4, v15  }
0x1f9: {  	v24 =	vor.u32 v4, v17;
	v22 =	vld.idx.msk [tilespmem:v22+s13+$0x0], $0xffff;
	[tilespmem:s26+$0x0] =	vst v14  }
0x1fa: {  	v14 =	vor.u32 v2, v16;
	v19 =	vld.idx.msk [tilespmem:v19+s13+$0x0], $0xffff  }
0x1fb: {  	v25 =	vor.u32 v2, v18;
	v23 =	vld.idx.msk [tilespmem:v23+s13+$0x0], $0xffff  }
0x1fc: {  	v26 =	vor.u32 v1, v8;
	v11 =	vld.idx.msk [tilespmem:v11+s13+$0x0], $0xffff;
	[tilespmem:s23+$0xFFFFFFF0] =	vst v12  }
0x1fd: {  	s18 =	simm.s32 $0x200;
	v12 =	vor.u32 v1, v10;
	[tilespmem:s0+$0x30] =	vst v13;
	v13 =	vld.idx.msk [tilespmem:v21+s13+$0x0], $0xffff  }
0x1fe: {  	s1 =	sand.u32 $0x3C00, s18;
	s19 =	simm.s32 $0x280;
	[tilespmem:s28+$0x10] =	vst v20;
	v21 =	vor.u32 v5, v15;
	v20 =	vld.idx.msk [tilespmem:v24+s13+$0x0], $0xffff  }
0x1ff: {  	s5 =	sand.u32 $0x280, s19;
	s1 =	sor.u32 $0xC200, s1;
	s22 =	simm.s32 $0xC440;
	v24 =	vor.u32 v1, v9;
	v14 =	vld.idx.msk [tilespmem:v14+s13+$0x0], $0xffff;
	[tilespmem:s26+$0x10] =	vst v19  }
0x200: {  	s24 =	simm.s32 $0x300;
	s25 =	sadd.s32 s5, s1;
	[tilespmem:s22+$0xFFFFFFC0] =	vst v22;
	v19 =	vor.u32 v3, v16;
	v22 =	vld.idx.msk [tilespmem:v25+s13+$0x0], $0xffff  }
0x201: {  	s17 =	sand.u32 $0x300, s24;
	[tilespmem:s25+$0x0] =	vst v23;
	v23 =	vld.idx.msk [tilespmem:v26+s13+$0x0], $0xffff;
	v25 =	vor.u32 v3, v18  }
0x202: {  	s18 =	simm.s32 $0x7;
	s24 =	sadd.s32 s17, s1;
	v12 =	vld.idx.msk [tilespmem:v12+s13+$0x0], $0xffff;
	[tilespmem:s23+$0x0] =	vst v13;
	v13 =	vor.u32 v5, v17  }
0x203: {  	v27 =	vor.u32 v2, v10;
	v26 =	vmov s18;
	[tilespmem:s24+$0x0] =	vst v11;
	v21 =	vld.idx.msk [tilespmem:v21+s13+$0x0], $0xffff  }
0x204: {  	v11 =	vand.u32 $0x7F, v26;
	v24 =	vld.idx.msk [tilespmem:v24+s13+$0x0], $0xffff;
	[tilespmem:s28+$0x20] =	vst v14;
	v14 =	vor.u32 v2, v8  }
0x205: {  	v11 =	vbroadcast v11, $0x0;
	v19 =	vld.idx.msk [tilespmem:v19+s13+$0x0], $0xffff;
	[tilespmem:s26+$0x20] =	vst v22;
	v22 =	vor.u32 v6, v15  }
0x206: {  	v28 =	vor.u32 v4, v16;
	[tilespmem:s0+$0x40] =	vst v20;
	v20 =	vld.idx.msk [tilespmem:v25+s13+$0x0], $0xffff  }
0x207: {  	s19 =	simm.s32 $0x8;
	v25 =	vor.u32 v0, v11;
	[tilespmem:s25+$0x10] =	vst v12;
	v26 =	vld.idx.msk [tilespmem:v13+s13+$0x0], $0xffff  }
0x208: {  	v29 =	vor.u32 v4, v18;
	s17 =	simm.s32 $0x9;
	[tilespmem:s22+$0xFFFFFFD0] =	vst v23;
	v12 =	vmov s19;
	v23 =	vld.idx.msk [tilespmem:v27+s13+$0x0], $0xffff  }
0x209: {  	v12 =	vand.u32 $0x7C, v12;
	v13 =	vmov s17;
	v27 =	vor.u32 v3, v10;
	[tilespmem:s23+$0x10] =	vst v21;
	v21 =	vld.idx.msk [tilespmem:v14+s13+$0x0], $0xffff  }
0x20a: {  	v30 =	vor.u32 v6, v17;
	s18 =	simm.s32 $0xA;
	v12 =	vbroadcast v12, $0x0;
	v13 =	vand.u32 $0x7D, v13;
	[tilespmem:s28+$0x30] =	vst v19;
	v22 =	vld.idx.msk [tilespmem:v22+s13+$0x0], $0xffff  }
0x20b: {  	v14 =	vmov s18;
	v13 =	vbroadcast v13, $0x0;
	v19 =	vor.u32 v3, v8;
	v28 =	vld.idx.msk [tilespmem:v28+s13+$0x0], $0xffff  }
0x20c: {  	v14 =	vand.u32 $0x7E, v14;
	v25 =	vld.idx.msk [tilespmem:v25+s13+$0x0], $0xffff;
	[tilespmem:s26+$0x30] =	vst v20;
	v20 =	vor.u32 v0, v12  }
0x20d: {  	v14 =	vbroadcast v14, $0x0;
	v31 =	vor.u32 v0, v13;
	[tilespmem:s25+$0x20] =	vst v23;
	v23 =	vld.idx.msk [tilespmem:v29+s13+$0x0], $0xffff  }
0x20e: {  	v29 =	vor.u32 v1, v11;
	[tilespmem:s0+$0x50] =	vst v26;
	v27 =	vld.idx.msk [tilespmem:v27+s13+$0x0], $0xffff  }
0x20f: {  	s19 =	simm.s32 $0x380;
	v26 =	vor.u32 v0, v14;
	[tilespmem:s22+$0xFFFFFFE0] =	vst v21;
	v21 =	vld.idx.msk [tilespmem:v30+s13+$0x0], $0xffff  }
0x210: {  	s5 =	sand.u32 $0x380, s19;
	[tilespmem:s24+$0x10] =	vst v24;
	v24 =	vor.u32 v4, v10;
	v19 =	vld.idx.msk [tilespmem:v19+s13+$0x0], $0xffff  }
0x211: {  	v17 =	vor.u32 v7, v17;
	s29 =	sadd.s32 s5, s1;
	[tilespmem:s28+$0x40] =	vst v28;
	v20 =	vld.idx.msk [tilespmem:v20+s13+$0x0], $0xffff  }
0x212: {  	v28 =	vor.u32 v5, v16;
	[tilespmem:s29+$0x0] =	vst v25;
	v25 =	vld.idx.msk [tilespmem:v31+s13+$0x0], $0xffff  }
0x213: {  	v30 =	vor.u32 v5, v18;
	v29 =	vld.idx.msk [tilespmem:v29+s13+$0x0], $0xffff;
	[tilespmem:s26+$0x40] =	vst v23  }
0x214: {  	v23 =	vld.idx.msk [tilespmem:v26+s13+$0x0], $0xffff;
	v26 =	vor.u32 v4, v8;
	[tilespmem:s25+$0x30] =	vst v27  }
0x215: {  	s5 =	simm.s32 $0x400;
	v27 =	vor.u32 v1, v12;
	[tilespmem:s0+$0x60] =	vst v21;
	v24 =	vld.idx.msk [tilespmem:v24+s13+$0x0], $0xffff  }
0x216: {  	s30 =	simm.s32 $0xC640;
	s17 =	simm.s32 $0x480;
	s1 =	sand.u32 $0x3C00, s5;
	v21 =	vor.u32 v2, v9;
	[tilespmem:s22+$0xFFFFFFF0] =	vst v19;
	v17 =	vld.idx.msk [tilespmem:v17+s13+$0x0], $0xffff  }
0x217: {  	s5 =	sand.u32 $0x280, s17;
	s1 =	sor.u32 $0xC200, s1;
	v19 =	vor.u32 v1, v13;
	[tilespmem:s30+$0xFFFFFFC0] =	vst v20;
	v20 =	vld.idx.msk [tilespmem:v28+s13+$0x0], $0xffff  }
0x218: {  	v15 =	vor.u32 v7, v15;
	s31 =	sadd.s32 s5, s1;
	[tilespmem:s23+$0x20] =	vst v22;
	v28 =	vld.idx.msk [tilespmem:v30+s13+$0x0], $0xffff  }
0x219: {  	[tilespmem:s31+$0x0] =	vst v25;
	v25 =	vor.u32 v2, v11;
	v26 =	vld.idx.msk [tilespmem:v26+s13+$0x0], $0xffff  }
0x21a: {  	v22 =	vor.u32 v6, v16;
	[tilespmem:s29+$0x10] =	vst v29;
	v30 =	vld.idx.msk [tilespmem:v27+s13+$0x0], $0xffff  }
0x21b: {  	v27 =	vor.u32 v5, v8;
	v21 =	vld.idx.msk [tilespmem:v21+s13+$0x0], $0xffff;
	[tilespmem:s25+$0x40] =	vst v24  }
0x21c: {  	v32 =	vor.u32 v5, v10;
	v29 =	vld.idx.msk [tilespmem:v19+s13+$0x0], $0xffff;
	[tilespmem:s0+$0x70] =	vst v17  }
0x21d: {  	s18 =	simm.s32 $0x500;
	v24 =	vor.u32 v1, v14;
	v19 =	vld.idx.msk [tilespmem:v15+s13+$0x0], $0xffff;
	[tilespmem:s28+$0x50] =	vst v20  }
0x21e: {  	v17 =	vor.u32 v3, v9;
	s0 =	sand.u32 $0x300, s18;
	v25 =	vld.idx.msk [tilespmem:v25+s13+$0x0], $0xffff;
	[tilespmem:s26+$0x50] =	vst v28  }
0x21f: {  	s0 =	sadd.s32 s0, s1;
	v20 =	vor.u32 v6, v18;
	v22 =	vld.idx.msk [tilespmem:v22+s13+$0x0], $0xffff;
	[tilespmem:s22+$0x0] =	vst v26  }
0x220: {  	s19 =	simm.s32 $0xB;
	[tilespmem:s0+$0x0] =	vst v23;
	v26 =	vor.u32 v3, v11;
	v23 =	vld.idx.msk [tilespmem:v27+s13+$0x0], $0xffff  }
0x221: {  	v15 =	vmov s19;
	v28 =	vor.u32 v7, v16;
	[tilespmem:s24+$0x20] =	vst v21;
	v21 =	vld.idx.msk [tilespmem:v32+s13+$0x0], $0xffff  }
0x222: {  	v33 =	vor.u32 v2, v13;
	v15 =	vand.u32 $0x7F, v15;
	[tilespmem:s30+$0xFFFFFFD0] =	vst v30;
	v31 =	vld.idx.msk [tilespmem:v24+s13+$0x0], $0xffff  }
0x223: {  	v15 =	vbroadcast v15, $0x0;
	[tilespmem:s31+$0x10] =	vst v29;
	v27 =	vld.idx.msk [tilespmem:v17+s13+$0x0], $0xffff  }
0x224: {  	v16 =	vor.u32 v4, v11;
	v29 =	vor.u32 v2, v12;
	[tilespmem:s29+$0x20] =	vst v25;
	v25 =	vld.idx.msk [tilespmem:v20+s13+$0x0], $0xffff  }
0x225: {  	v30 =	vor.u32 v0, v15;
	v20 =	vor.u32 v6, v8;
	v26 =	vld.idx.msk [tilespmem:v26+s13+$0x0], $0xffff;
	[tilespmem:s28+$0x60] =	vst v22  }
0x226: {  	v17 =	vor.u32 v2, v14;
	v22 =	vor.u32 v7, v18;
	v24 =	vld.idx.msk [tilespmem:v28+s13+$0x0], $0xffff;
	[tilespmem:s22+$0x10] =	vst v23  }
0x227: {  	s17 =	simm.s32 $0xC;
	s18 =	simm.s32 $0x580;
	v18 =	vor.u32 v4, v15;
	v23 =	vld.idx.msk [tilespmem:v33+s13+$0x0], $0xffff;
	v28 =	vor.u32 v4, v9;
	[tilespmem:s0+$0x10] =	vst v31  }
.LBB2_8:
0x228: {  	s5 =	sadd.s32 $0x1, s17  }
0x229: {  	v31 =	vmov s17;
	p0 =	slt.u32 s17, $0x7C;
	v29 =	vld.idx.msk [tilespmem:v29+s13+$0x0], $0xffff;
	v32 =	vor.u32 v6, v10;
	[tilespmem:s24+$0x30] =	vst v27;
	s19 =	smov.u32 s17;
	s17 =	sadd.s32 $0x4, s17  }
0x22a: {  	v33 =	vor.u32 v3, v13;
	v27 =	vand.u32 $0x7C, v31;
	v31 =	vmov s5;
	s5 =	sadd.s32 $0x2, s19;
	v20 =	vld.idx.msk [tilespmem:v20+s13+$0x0], $0xffff;
	[tilespmem:s26+$0x60] =	vst v25  }
0x22b: {  	v25 =	vbroadcast v27, $0x0;
	v27 =	vand.u32 $0x7D, v31;
	v31 =	vmov s5;
	[tilespmem:s29+$0x30] =	vst v26;
	v22 =	vld.idx.msk [tilespmem:v22+s13+$0x0], $0xffff  }
0x22c: {  	v26 =	vbroadcast v27, $0x0;
	v27 =	vand.u32 $0x7E, v31;
	v31 =	vor.u32 v3, v12;
	v30 =	vld.idx.msk [tilespmem:v30+s13+$0x0], $0xffff;
	[tilespmem:s28+$0x70] =	vst v24;
	s28 =	smov.u32 s24;
	s24 =	smov.u32 s0  }
0x22d: {  	v24 =	vor.u32 v0, v25;
	v27 =	vbroadcast v27, $0x0;
	v28 =	vld.idx.msk [tilespmem:v28+s13+$0x0], $0xffff;
	[tilespmem:s23+$0x30] =	vst v19;
	s23 =	smov.u32 s22;
	s22 =	smov.u32 s30  }
0x22e: {  	v19 =	vor.u32 v0, v26;
	[tilespmem:s31+$0x20] =	vst v23;
	v23 =	vld.idx.msk [tilespmem:v16+s13+$0x0], $0xffff;
	v16 =	vmov v18  }
0x22f: {  	v34 =	vor.u32 v1, v15;
	v18 =	vor.u32 v0, v27;
	v33 =	vld.idx.msk [tilespmem:v33+s13+$0x0], $0xffff;
	[tilespmem:s25+$0x50] =	vst v21  }
0x230: {  	s0 =	sand.u32 $0x380, s18;
	[tilespmem:s30+$0xFFFFFFE0] =	vst v29;
	v21 =	vld.idx.msk [tilespmem:v32+s13+$0x0], $0xffff  }
0x231: {  	v29 =	vld.idx.msk [tilespmem:v31+s13+$0x0], $0xffff;
	v31 =	vor.u32 v4, v13;
	[tilespmem:s26+$0x70] =	vst v22;
	s26 =	smov.u32 s29;
	s29 =	sadd.s32 s0, s1  }
0x232: {  	v22 =	vld.idx.msk [tilespmem:v24+s13+$0x0], $0xffff;
	[tilespmem:s29+$0x0] =	vst v30;
	v24 =	vor.u32 v7, v10;
	v10 =	vmov v13;
	v13 =	vmov v26  }
0x233: {  	v26 =	vor.u32 v5, v9;
	v19 =	vld.idx.msk [tilespmem:v19+s13+$0x0], $0xffff;
	[tilespmem:s28+$0x40] =	vst v28;
	v28 =	vor.u32 v5, v11  }
0x234: {  	s18 =	sadd.s32 $0x200, s18;
	v30 =	vor.u32 v1, v25;
	v32 =	vld.idx.msk [tilespmem:v34+s13+$0x0], $0xffff;
	[tilespmem:s26+$0x40] =	vst v23  }
0x235: {  	s0 =	sadd.s32 $0xFFFFFE80, s18;
	v23 =	vor.u32 v1, v13;
	v34 =	vor.u32 v4, v12;
	v18 =	vld.idx.msk [tilespmem:v18+s13+$0x0], $0xffff;
	[tilespmem:s31+$0x30] =	vst v33  }
0x236: {  	s30 =	sadd.s32 $0x200, s30;
	s1 =	sadd.s32 $0xFFFFFF00, s18;
	s0 =	sand.u32 $0x3C00, s0;
	v33 =	vor.u32 v1, v27;
	v31 =	vld.idx.msk [tilespmem:v31+s13+$0x0], $0xffff;
	[tilespmem:s25+$0x60] =	vst v21  }
0x237: {  	s5 =	sand.u32 $0x280, s1;
	s1 =	sor.u32 $0xC200, s0;
	s0 =	sadd.s32 $0xFFFFFF80, s18;
	[tilespmem:s22+$0xFFFFFFF0] =	vst v29;
	v21 =	vld.idx.msk [tilespmem:v24+s13+$0x0], $0xffff  }
0x238: {  	s5 =	sadd.s32 s5, s1;
	s0 =	sand.u32 $0x300, s0;
	[tilespmem:s30+$0xFFFFFFC0] =	vst v22;
	v22 =	vld.idx.msk [tilespmem:v26+s13+$0x0], $0xffff  }
0x239: {  	s0 =	sadd.s32 s0, s1;
	[tilespmem:s5+$0x0] =	vst v19;
	v19 =	vor.u32 v2, v15;
	v24 =	vld.idx.msk [tilespmem:v28+s13+$0x0], $0xffff  }
0x23a: {  	v26 =	vld.idx.msk [tilespmem:v34+s13+$0x0], $0xffff;
	[tilespmem:s23+$0x20] =	vst v20;
	v20 =	vor.u32 v6, v9  }
0x23b: {  	v29 =	vor.u32 v7, v8;
	v8 =	vmov v12;
	v12 =	vmov v25;
	v28 =	vld.idx.msk [tilespmem:v30+s13+$0x0], $0xffff;
	[tilespmem:s29+$0x10] =	vst v32  }
0x23c: {  	v25 =	vor.u32 v5, v8;
	v32 =	vor.u32 v2, v13;
	[tilespmem:s31+$0x40] =	vst v31;
	v30 =	vld.idx.msk [tilespmem:v17+s13+$0x0], $0xffff  }
0x23d: {  	v17 =	vor.u32 v2, v27;
	v23 =	vld.idx.msk [tilespmem:v23+s13+$0x0], $0xffff;
	[tilespmem:s25+$0x70] =	vst v21;
	s25 =	smov.u32 s31;
	s31 =	smov.u32 s5  }
0x23e: {  	v34 =	vor.u32 v6, v11;
	v21 =	vor.u32 v3, v14;
	v31 =	vld.idx.msk [tilespmem:v19+s13+$0x0], $0xffff;
	[tilespmem:s28+$0x50] =	vst v22  }
0x23f: {  	v35 =	vld.idx.msk [tilespmem:v20+s13+$0x0], $0xffff;
	[tilespmem:s26+$0x50] =	vst v24  }
0x240: {  	v24 =	vor.u32 v3, v15;
	[tilespmem:s22+$0x0] =	vst v26;
	v19 =	vld.idx.msk [tilespmem:v29+s13+$0x0], $0xffff  }
0x241: {  	[tilespmem:s0+$0x0] =	vst v18;
	v36 =	vld.idx.msk [tilespmem:v25+s13+$0x0], $0xffff;
	v18 =	vor.u32 v7, v9;
	v9 =	vmov v14;
	v14 =	vmov v27  }
0x242: {  	v37 =	vor.u32 v5, v10;
	s5 =	sadd.s32 $0x3, s19;
	v33 =	vld.idx.msk [tilespmem:v33+s13+$0x0], $0xffff;
	[tilespmem:s24+$0x20] =	vst v30  }
0x243: {  	v22 =	vor.u32 v7, v11;
	v11 =	vmov v15;
	v20 =	vmov s5;
	[tilespmem:s31+$0x10] =	vst v23;
	v27 =	vld.idx.msk [tilespmem:v21+s13+$0x0], $0xffff  }
.Ltmp3:
0x244: {  	v29 =	vor.u32 v2, v12;
	v15 =	vand.u32 $0x7F, v20;
	[tilespmem:s29+$0x20] =	vst v31;
	v25 =	vld.idx.msk [tilespmem:v34+s13+$0x0], $0xffff;
	(pc) =	sbr.rel @p0 .LBB2_8-.Ltmp3, $4  }
0x245: {  	v20 =	vor.u32 v6, v8;
	v15 =	vbroadcast v15, $0x0;
	v26 =	vld.idx.msk [tilespmem:v24+s13+$0x0], $0xffff;
	[tilespmem:s28+$0x60] =	vst v35  }
0x246: {  	[tilespmem:s30+$0xFFFFFFD0] =	vst v28;
	v24 =	vld.idx.msk [tilespmem:v18+s13+$0x0], $0xffff  }
0x247: {  	v30 =	vor.u32 v0, v15;
	v18 =	vor.u32 v4, v15;
	[tilespmem:s22+$0x10] =	vst v36;
	v21 =	vld.idx.msk [tilespmem:v37+s13+$0x0], $0xffff  }
0x248: {  	v28 =	vor.u32 v4, v9;
	v23 =	vld.idx.msk [tilespmem:v32+s13+$0x0], $0xffff;
	[tilespmem:s0+$0x10] =	vst v33  }
0x249: {  	_ =	sdelay $0x3  }
0x24a: {  	v30 =	vld.idx.msk [tilespmem:v30+s13+$0x0], $0xffff  }
0x24b: {  	v31 =	vor.u32 v1, v15;
	_ =	sdelay $0x1  }
0x24c: {  	[tilespmem:s24+$0x30] =	vst v27;
	s5 =	sand.u32 $0x380, s18  }
0x24d: {  	[tilespmem:s26+$0x60] =	vst v25;
	s1 =	sadd.s32 s5, s1  }
0x24e: {  	[tilespmem:s1+$0x0] =	vst v30  }
0x24f: {  	[tilespmem:s23+$0x30] =	vst v19;
	v54 =	vld.idx.msk [tilespmem:v31+s13+$0x0], $0xffff  }
0x250: {  	v55 =	vld.idx.msk [tilespmem:v29+s13+$0x0], $0xffff;
	v56 =	vor.u32 v2, v15;
	[tilespmem:s29+$0x30] =	vst v26  }
0x251: {  	v17 =	vld.idx.msk [tilespmem:v17+s13+$0x0], $0xffff;
	[tilespmem:s28+$0x70] =	vst v24  }
0x252: {  	v57 =	vor.u32 v3, v13;
	v33 =	vld.idx.msk [tilespmem:v20+s13+$0x0], $0xffff;
	[tilespmem:s25+$0x50] =	vst v21  }
0x253: {  	v58 =	vor.u32 v6, v10;
	v22 =	vld.idx.msk [tilespmem:v22+s13+$0x0], $0xffff;
	[tilespmem:s31+$0x20] =	vst v23  }
0x254: {  	v60 =	vor.u32 v3, v14;
	v28 =	vld.idx.msk [tilespmem:v28+s13+$0x0], $0xffff;
	[tilespmem:s1+$0x10] =	vst v54  }
0x255: {  	v59 =	vor.u32 v3, v12;
	[tilespmem:s30+$0xFFFFFFE0] =	vst v55;
	v24 =	vld.idx.msk [tilespmem:v56+s13+$0x0], $0xffff  }
0x256: {  	v62 =	vor.u32 v3, v15;
	v16 =	vld.idx.msk [tilespmem:v16+s13+$0x0], $0xffff;
	[tilespmem:s0+$0x20] =	vst v17  }
0x257: {  	v8 =	vor.u32 v7, v8;
	v61 =	vld.idx.msk [tilespmem:v57+s13+$0x0], $0xffff;
	[tilespmem:s22+$0x20] =	vst v33  }
0x258: {  	v19 =	vld.idx.msk [tilespmem:v58+s13+$0x0], $0xffff;
	v30 =	vor.u32 v5, v9;
	[tilespmem:s26+$0x70] =	vst v22  }
0x259: {  	v63 =	vor.u32 v4, v13;
	[tilespmem:s24+$0x40] =	vst v28;
	v32 =	vld.idx.msk [tilespmem:v60+s13+$0x0], $0xffff  }
0x25a: {  	v34 =	vor.u32 v4, v14;
	v23 =	vld.idx.msk [tilespmem:v59+s13+$0x0], $0xffff;
	[tilespmem:s1+$0x20] =	vst v24  }
0x25b: {  	v35 =	vor.u32 v4, v12;
	[tilespmem:s29+$0x40] =	vst v16;
	v22 =	vld.idx.msk [tilespmem:v62+s13+$0x0], $0xffff  }
0x25c: {  	v8 =	vld.idx.msk [tilespmem:v8+s13+$0x0], $0xffff;
	[tilespmem:s31+$0x30] =	vst v61  }
0x25d: {  	v37 =	vor.u32 v5, v11;
	[tilespmem:s25+$0x60] =	vst v19;
	v38 =	vld.idx.msk [tilespmem:v30+s13+$0x0], $0xffff  }
0x25e: {  	v31 =	vor.u32 v7, v10;
	v36 =	vld.idx.msk [tilespmem:v63+s13+$0x0], $0xffff;
	[tilespmem:s0+$0x30] =	vst v32  }
0x25f: {  	v40 =	vor.u32 v5, v13;
	[tilespmem:s30+$0xFFFFFFF0] =	vst v23;
	v41 =	vld.idx.msk [tilespmem:v34+s13+$0x0], $0xffff  }
0x260: {  	v43 =	vor.u32 v5, v14;
	v42 =	vld.idx.msk [tilespmem:v35+s13+$0x0], $0xffff;
	[tilespmem:s1+$0x30] =	vst v22  }
0x261: {  	v44 =	vor.u32 v5, v12;
	[tilespmem:s22+$0x30] =	vst v8;
	v18 =	vld.idx.msk [tilespmem:v18+s13+$0x0], $0xffff  }
0x262: {  	v45 =	vor.u32 v5, v15;
	v19 =	vld.idx.msk [tilespmem:v37+s13+$0x0], $0xffff;
	[tilespmem:s24+$0x50] =	vst v38  }
0x263: {  	v39 =	vor.u32 v6, v9;
	v10 =	vld.idx.msk [tilespmem:v31+s13+$0x0], $0xffff;
	[tilespmem:s31+$0x40] =	vst v36  }
0x264: {  	v46 =	vor.u32 v6, v11;
	v16 =	vld.idx.msk [tilespmem:v40+s13+$0x0], $0xffff;
	[tilespmem:s0+$0x40] =	vst v41  }
0x265: {  	v49 =	vor.u32 v6, v13;
	[tilespmem:s30+$0x0] =	vst v42;
	v50 =	vld.idx.msk [tilespmem:v43+s13+$0x0], $0xffff  }
0x266: {  	v52 =	vor.u32 v6, v14;
	v51 =	vld.idx.msk [tilespmem:v44+s13+$0x0], $0xffff;
	[tilespmem:s1+$0x40] =	vst v18  }
0x267: {  	v53 =	vor.u32 v6, v12;
	[tilespmem:s29+$0x50] =	vst v19;
	v54 =	vld.idx.msk [tilespmem:v45+s13+$0x0], $0xffff  }
0x268: {  	v55 =	vor.u32 v6, v15;
	[tilespmem:s25+$0x70] =	vst v10;
	v47 =	vld.idx.msk [tilespmem:v39+s13+$0x0], $0xffff  }
0x269: {  	v48 =	vor.u32 v7, v9;
	v10 =	vld.idx.msk [tilespmem:v46+s13+$0x0], $0xffff;
	[tilespmem:s31+$0x50] =	vst v16  }
0x26a: {  	v56 =	vor.u32 v7, v11;
	v16 =	vld.idx.msk [tilespmem:v49+s13+$0x0], $0xffff;
	[tilespmem:s0+$0x50] =	vst v50  }
0x26b: {  	v57 =	vor.u32 v7, v13;
	[tilespmem:s30+$0x10] =	vst v51;
	v58 =	vld.idx.msk [tilespmem:v52+s13+$0x0], $0xffff  }
0x26c: {  	v60 =	vor.u32 v7, v14;
	v59 =	vld.idx.msk [tilespmem:v53+s13+$0x0], $0xffff;
	[tilespmem:s1+$0x50] =	vst v54  }
0x26d: {  	v61 =	vor.u32 v7, v12;
	[tilespmem:s24+$0x60] =	vst v47;
	v62 =	vld.idx.msk [tilespmem:v55+s13+$0x0], $0xffff  }
0x26e: {  	v63 =	vor.u32 v7, v15;
	[tilespmem:s29+$0x60] =	vst v10;
	v9 =	vld.idx.msk [tilespmem:v48+s13+$0x0], $0xffff  }
0x26f: {  	v11 =	vld.idx.msk [tilespmem:v56+s13+$0x0], $0xffff;
	[tilespmem:s31+$0x60] =	vst v16  }
0x270: {  	v13 =	vld.idx.msk [tilespmem:v57+s13+$0x0], $0xffff;
	[tilespmem:s0+$0x60] =	vst v58  }
0x271: {  	[tilespmem:s30+$0x20] =	vst v59;
	v14 =	vld.idx.msk [tilespmem:v60+s13+$0x0], $0xffff  }
0x272: {  	v10 =	vld.idx.msk [tilespmem:v61+s13+$0x0], $0xffff;
	[tilespmem:s1+$0x60] =	vst v62  }
0x273: {  	[tilespmem:s24+$0x70] =	vst v9;
	v8 =	vld.idx.msk [tilespmem:v63+s13+$0x0], $0xffff  }
0x274: {  	[tilespmem:s29+$0x70] =	vst v11  }
0x275: {  	[tilespmem:s31+$0x70] =	vst v13  }
0x276: {  	[tilespmem:s0+$0x70] =	vst v14  }
0x277: {  	[tilespmem:s30+$0x30] =	vst v10  }
0x278: {  	s21 =	sadd.s32 $0x1, s21;
	s31 =	simm.s32 $0xC200;
	[tilespmem:s1+$0x70] =	vst v8  }
0x279: {  	[hbm4b:s8+s15] =	stream.strided.scatter [tilespmem:s31], [sflag:$0x2], $0x4000, s16, s15, $0x38;
	[tilespmem:$0x10200] =	vst v63  }
0x27a: {  	p0 =	sne.s32 s21, s9;
	_ =	swait.ge [sflag:s20], $0x4000  }
.Ltmp4:
0x27b: {  	[sflag:s20] =	ssyncset.done $0x0;
	(pc) =	sbr.rel @p0 .LBB2_1-.Ltmp4, $4  }
0x27c: {  	[sflag:s20] =	ssyncadd.s32 $0xFFFFC000  }
0x27d: {  	_ =	swait.ge [sflag:s20], $0x4000  }
0x27e: {  	[sflag:s20] =	ssyncset.done $0x0  }
0x27f: {  	[sflag:s20] =	ssyncadd.s32 $0xFFFFC000  }
0x280: {  	_ =	sfence.sel $0x180000  }
0x281: {  	[bflag:$0x0] =	sbarrier.arrive $0xFFFF  }
0x282: {  	_ =	strace $0x90000047  }
0x283: {  	s0 =	stileid.u32;
	[bflag:$0x2] =	sbarrier.arrive $0xFFFF  }
0x284: {  	p0 =	sne.s32 s0, $0x0;
	s0 =	rddreg [dreg:$0x3]  }
0x285: {  	s0 =	sadd.s32 @!p0 $0x100000, s0  }
0x286: {  	[sflag:s0] =	ssyncadd.tile.s32 @!p0 $0x1;
	_ =	shalt  }
.Lfunc_end2:
_tile_overlayer_lowered:
.L_overlay_start_2:
0x287: {  	(tag) =	ssettag $0x2  }
0x288: {  	s0 =	rddreg [dreg:$0x0];
	s2 =	stileid.u32  }
0x289: {  	s1 =	rddreg [dreg:$0x1];
	p0 =	sne.s32 s2, $0x0  }
0x28a: {  	s3 =	rddreg [dreg:$0x2];
	[bflag:$0x3] =	sbarrier.arrive $0xFFFF;
	s2 =	simm.s32 @!p0 $0x1C03  }
0x28b: {  	[timem:s3], [sflag:s2] =	dma.local @!p0 [hbm:s0], s1  }
0x28c: {  	s0 =	simm.s32 @!p0 $0x3  }
0x28d: {  	_ =	swait.ge @!p0 [sflag:s0], s1  }
0x28e: {  	s1 =	ssub.s32 @!p0 $0x0, s1;
	[sflag:s0] =	ssyncset.done @!p0 $0x0  }
0x28f: {  	[sflag:s0] =	ssyncadd.s32 @!p0 s1  }
0x290: {  	[bflag:$0x3] =	sbarrier.arrive $0xFFFF  }
0x291: {  	_ =	shalt  }

</sc_bundles>
